<compile_context>
chip_gen: v7x
topology: tpu7x:2x2x1
jax: 0.10.2.dev20260603
libtpu: 0.0.44.dev20260713+nightly
codegen_flags: <defaults>
</compile_context>

<pallas_src>
import jax
import jax.numpy as jnp
from jax import lax
from jax.experimental import pallas as pl
from jax.experimental.pallas import tpu as pltpu
from jax.experimental.pallas import tpu_sc as plsc

N_NODES = 10000
D = 128
N_EDGES = 320000
EPS = 1e-5

NC = 2
NS = 16
NW = NC * NS

CHUNK = 128
EDGES_PER_W = N_EDGES // NW
CHUNKS_PER_W = 79
EDGES_PAD_W = CHUNKS_PER_W * CHUNK
N_PAD = 10240
ROWS_PER_TILE = N_PAD // NS
DUMMY = N_NODES

ROW_BLK = 400
GRID = N_NODES // ROW_BLK


def _sc_mesh():
    return plsc.VectorSubcoreMesh(core_axis_name="c", subcore_axis_name="s")


def _deg_body(dst_hbm, out_hbm, dst_v, ones_v, zb_v, deg_sh):
    c = lax.axis_index("c")
    s = lax.axis_index("s")
    w = c * NS + s
    for k in range(CHUNK // 16):
        ones_v[pl.ds(k * 16, 16)] = jnp.ones((16,), jnp.float32)

    def zfill(i, carry):
        zb_v[pl.ds(i * 16, 16)] = jnp.zeros((16,), jnp.float32)
        return carry

    lax.fori_loop(0, ROWS_PER_TILE // 16, zfill, 0)
    pltpu.sync_copy(zb_v, deg_sh.at[pl.ds(s * ROWS_PER_TILE, ROWS_PER_TILE)])
    pltpu.sync_copy(dst_hbm.at[w], dst_v)
    plsc.subcore_barrier()

    def chunk(j, carry):
        pltpu.sync_copy(ones_v, deg_sh.at[dst_v.at[j]], add=True)
        return carry

    lax.fori_loop(0, CHUNKS_PER_W, chunk, 0)
    plsc.subcore_barrier()
    pltpu.sync_copy(
        deg_sh.at[pl.ds(s * ROWS_PER_TILE, ROWS_PER_TILE)],
        out_hbm.at[c].at[pl.ds(s * ROWS_PER_TILE, ROWS_PER_TILE)],
    )


def _deg_partials(dst_w):
    k = pl.kernel(
        _deg_body,
        out_type=jax.ShapeDtypeStruct((NC, N_PAD), jnp.float32),
        mesh=_sc_mesh(),
        scratch_types=[
            pltpu.VMEM((CHUNKS_PER_W, CHUNK), jnp.int32),
            pltpu.VMEM((CHUNK,), jnp.float32),
            pltpu.VMEM((ROWS_PER_TILE,), jnp.float32),
            pltpu.VMEM_SHARED((N_PAD,), jnp.float32),
        ],
    )
    return k(dst_w)


def _agg_body(src_hbm, dst_hbm, hp_hbm, zrows_hbm, out_hbm,
              src_v, dst_v, buf_v, agg_sh, sem):
    c = lax.axis_index("c")
    s = lax.axis_index("s")
    w = c * NS + s
    pltpu.sync_copy(zrows_hbm, agg_sh.at[pl.ds(s * ROWS_PER_TILE, ROWS_PER_TILE)])
    pltpu.sync_copy(src_hbm.at[w], src_v)
    pltpu.sync_copy(dst_hbm.at[w], dst_v)
    plsc.subcore_barrier()

    def chunk(j, carry):
        pltpu.async_copy(hp_hbm.at[src_v.at[j]], buf_v, sem).wait()
        pltpu.sync_copy(buf_v, agg_sh.at[dst_v.at[j]], add=True)
        return carry

    lax.fori_loop(0, CHUNKS_PER_W, chunk, 0)
    plsc.subcore_barrier()
    pltpu.sync_copy(
        agg_sh.at[pl.ds(s * ROWS_PER_TILE, ROWS_PER_TILE)],
        out_hbm.at[c].at[pl.ds(s * ROWS_PER_TILE, ROWS_PER_TILE)],
    )


def _agg_partials(src_w, dst_w, hp, zrows):
    k = pl.kernel(
        _agg_body,
        out_type=jax.ShapeDtypeStruct((NC, N_PAD, D), jnp.float32),
        mesh=_sc_mesh(),
        scratch_types=[
            pltpu.VMEM((CHUNKS_PER_W, CHUNK), jnp.int32),
            pltpu.VMEM((CHUNKS_PER_W, CHUNK), jnp.int32),
            pltpu.VMEM((CHUNK, D), jnp.float32),
            pltpu.VMEM_SHARED((N_PAD, D), jnp.float32),
            pltpu.SemaphoreType.DMA,
        ],
    )
    return k(src_w, dst_w, hp, zrows)


def _mm_body(x_ref, w_ref, degp_ref, hp_ref):
    deg = degp_ref[:, 0] + degp_ref[:, 1] + 1.0
    dinv = lax.rsqrt(deg)
    h = jnp.dot(x_ref[...], w_ref[...], preferred_element_type=jnp.float32)
    hp_ref[...] = h * dinv[:, None]


def _matmul_scaled(x, W, degp):
    return pl.pallas_call(
        _mm_body,
        grid=(GRID,),
        in_specs=[
            pl.BlockSpec((ROW_BLK, D), lambda i: (i, 0)),
            pl.BlockSpec((D, D), lambda i: (0, 0)),
            pl.BlockSpec((ROW_BLK, NC), lambda i: (i, 0)),
        ],
        out_specs=pl.BlockSpec((ROW_BLK, D), lambda i: (i, 0)),
        out_shape=jax.ShapeDtypeStruct((N_NODES, D), jnp.float32),
    )(x, W, degp)


def _act_body(aggp_ref, hp_ref, degp_ref, b_ref, act_ref, sums_ref):
    i = pl.program_id(0)
    deg = degp_ref[:, 0] + degp_ref[:, 1] + 1.0
    dinv = lax.rsqrt(deg)
    tot = aggp_ref[0] + aggp_ref[1] + hp_ref[...]
    a = jnp.tanh(tot * dinv[:, None] + b_ref[...])
    act_ref[...] = a

    @pl.when(i == 0)
    def _():
        sums_ref[...] = jnp.zeros_like(sums_ref)

    sums_ref[0:1, :] += jnp.sum(a, axis=0, keepdims=True)
    sums_ref[1:2, :] += jnp.sum(a * a, axis=0, keepdims=True)


def _act_stats(aggp, hp, degp, b2):
    return pl.pallas_call(
        _act_body,
        grid=(GRID,),
        in_specs=[
            pl.BlockSpec((NC, ROW_BLK, D), lambda i: (0, i, 0)),
            pl.BlockSpec((ROW_BLK, D), lambda i: (i, 0)),
            pl.BlockSpec((ROW_BLK, NC), lambda i: (i, 0)),
            pl.BlockSpec((1, D), lambda i: (0, 0)),
        ],
        out_specs=[
            pl.BlockSpec((ROW_BLK, D), lambda i: (i, 0)),
            pl.BlockSpec((8, D), lambda i: (0, 0)),
        ],
        out_shape=[
            jax.ShapeDtypeStruct((N_NODES, D), jnp.float32),
            jax.ShapeDtypeStruct((8, D), jnp.float32),
        ],
    )(aggp, hp, degp, b2)


def _norm_body(act_ref, sums_ref, g_ref, be_ref, out_ref):
    inv_n = 1.0 / N_NODES
    mean = sums_ref[0:1, :] * inv_n
    var = sums_ref[1:2, :] * inv_n - mean * mean
    scale = g_ref[...] * lax.rsqrt(var + EPS)
    out_ref[...] = (act_ref[...] - mean) * scale + be_ref[...]


def _normalize(act, sums, g2, be2):
    return pl.pallas_call(
        _norm_body,
        grid=(GRID,),
        in_specs=[
            pl.BlockSpec((ROW_BLK, D), lambda i: (i, 0)),
            pl.BlockSpec((8, D), lambda i: (0, 0)),
            pl.BlockSpec((1, D), lambda i: (0, 0)),
            pl.BlockSpec((1, D), lambda i: (0, 0)),
        ],
        out_specs=pl.BlockSpec((ROW_BLK, D), lambda i: (i, 0)),
        out_shape=jax.ShapeDtypeStruct((N_NODES, D), jnp.float32),
    )(act, sums, g2, be2)


@jax.jit
def _run(x, edge_index, W, b, gamma, beta):
    src = edge_index[0].astype(jnp.int32)
    dst = edge_index[1].astype(jnp.int32)
    pad = NW * EDGES_PAD_W - N_EDGES
    src_w = jnp.concatenate([src, jnp.zeros((pad,), jnp.int32)]).reshape(
        NW, CHUNKS_PER_W, CHUNK)
    dst_w = jnp.concatenate([dst, jnp.full((pad,), DUMMY, jnp.int32)]).reshape(
        NW, CHUNKS_PER_W, CHUNK)

    degp = _deg_partials(dst_w).T
    hp = _matmul_scaled(x, W, degp)
    zrows = jnp.zeros((ROWS_PER_TILE, D), jnp.float32)
    aggp = _agg_partials(src_w, dst_w, hp, zrows)
    act, sums = _act_stats(aggp, hp, degp, b.reshape(1, D))
    return _normalize(act, sums, gamma.reshape(1, D), beta.reshape(1, D))


def kernel(x, edge_index, W, b, gamma, beta):
    return _run(x, edge_index, W, b, gamma, beta)

# --- scband reference (transcript-rebuilt; emitter-appended) ---
"""Pipeline reference for scband-bgcnencoder-12292196401321 (READ-ONLY COPY).

The authoritative reference and input builder live on the scoring server;
editing this copy changes nothing except your own understanding.
"""

import jax, jax.numpy as jnp
import numpy as np

N_NODES = 10000
D_IN = 128
D_OUT = 128
N_EDGES = 320000
EPS = 1e-5


def setup_inputs(seed: int = 0) -> dict:
    key = jax.random.key(seed)
    k1, k2, k3, k4 = jax.random.split(key, 4)
    x = jax.random.normal(k1, (N_NODES, D_IN), dtype=jnp.float32)
    edge_index = jax.random.randint(k2, (2, N_EDGES), 0, N_NODES, dtype=jnp.int64)
    W = jax.random.normal(k3, (D_IN, D_OUT), dtype=jnp.float32) * (1.0 / np.sqrt(D_IN))
    b = jnp.zeros((D_OUT,), dtype=jnp.float32)
    gamma = jnp.ones((D_OUT,), dtype=jnp.float32)
    beta = jnp.zeros((D_OUT,), dtype=jnp.float32)
    return {"x": x, "edge_index": edge_index, "W": W, "b": b, "gamma": gamma, "beta": beta}


def reference(x, edge_index, W, b, gamma, beta):
    n = x.shape[0]
    src = edge_index[0]
    dst = edge_index[1]
    # GCN-style conv with added self-loops and symmetric normalization
    loop = jnp.arange(n, dtype=edge_index.dtype)
    src = jnp.concatenate([src, loop], axis=0)
    dst = jnp.concatenate([dst, loop], axis=0)
    ones = jnp.ones(src.shape[0], dtype=x.dtype)
    deg = jax.ops.segment_sum(ones, dst, num_segments=n)
    deg_inv_sqrt = jnp.where(deg > 0, jax.lax.rsqrt(jnp.maximum(deg, 1e-12)), 0.0)
    norm = deg_inv_sqrt[src] * deg_inv_sqrt[dst]
    h = x @ W
    msg = h[src] * norm[:, None]
    agg = jax.ops.segment_sum(msg, dst, num_segments=n)
    conv_out = agg + b
    # tanh activation
    act = jnp.tanh(conv_out)
    # BatchNorm over the node dimension (training-mode batch statistics)
    mean = jnp.mean(act, axis=0)
    var = jnp.var(act, axis=0)
    out = gamma * (act - mean) * jax.lax.rsqrt(var + EPS) + beta
    return out

if __name__ == "__main__":
    import jax
    _d = setup_inputs()
    print(jax.jit(kernel)(*tuple(_d.values())))

</pallas_src>

<mosaic_0001>
#map = affine_map<(d0, d1) -> (0, 0, 0)>
#map1 = affine_map<(d0, d1) -> (0, 0)>
module attributes {stable_mosaic.version = 14 : i64} {
  func.func @_agg_body(%arg0: i32, %arg1: i32, %arg2: memref<32x79x128xi32, #tpu.memory_space<hbm>>, %arg3: memref<32x79x128xi32, #tpu.memory_space<hbm>>, %arg4: memref<10000x128xf32, #tpu.memory_space<hbm>>, %arg5: memref<640x128xf32, #tpu.memory_space<hbm>>, %arg6: memref<2x10240x128xf32, #tpu.memory_space<hbm>>, %arg7: memref<79x128xi32, #tpu.memory_space<vmem>>, %arg8: memref<79x128xi32, #tpu.memory_space<vmem>>, %arg9: memref<128x128xf32, #tpu.memory_space<vmem>>, %arg10: memref<10240x128xf32, #tpu.memory_space<vmem_shared>>, %arg11: memref<!tpu.dma_semaphore, #tpu.memory_space<semaphore_mem>>) attributes {dimension_semantics = [#tpu.dimension_semantics<core_parallel>, #tpu.dimension_semantics<subcore_parallel>], iteration_bounds = array<i64: 2, 16>, scalar_prefetch = 0 : i64, scratch_operands = 5 : i64, tpu.core_type = #tpu.core_type<sc_vector_subcore>, window_params = [{transform_indices = #map}, {transform_indices = #map}, {transform_indices = #map1}, {transform_indices = #map1}, {transform_indices = #map}]} {
    %mul3A = arith.constant 16 : i32
    %mul3A_0 = arith.muli %arg0, %mul3A : i32
    %add3A = arith.addi %mul3A_0, %arg1 : i32
    %mul3A_1 = arith.constant 640 : i32
    %mul3A_2 = arith.muli %arg1, %mul3A_1 : i32
    "tpu.region"() ({
      %run_scoped3A = tpu.sem_alloc : memref<!tpu.dma_semaphore, #tpu.memory_space<semaphore_mem>>
      %dma_start3A = arith.constant 0 : i32
      %dma_start3A_13 = tpu.memref_slice %arg10[%mul3A_2, %dma_start3A] : memref<10240x128xf32, #tpu.memory_space<vmem_shared>> -> memref<640x128xf32, #tpu.memory_space<vmem_shared>>
      tpu.enqueue_dma source(%arg5 : memref<640x128xf32, #tpu.memory_space<hbm>>) target(%dma_start3A_13 : memref<640x128xf32, #tpu.memory_space<vmem_shared>>) target_semaphore(%run_scoped3A : memref<!tpu.dma_semaphore, #tpu.memory_space<semaphore_mem>>)
      %dma_wait3A = arith.constant 0 : i32
      %dma_wait3A_14 = tpu.memref_slice %arg10[%mul3A_2, %dma_wait3A] : memref<10240x128xf32, #tpu.memory_space<vmem_shared>> -> memref<640x128xf32, #tpu.memory_space<vmem_shared>>
      tpu.wait_dma2 semaphore(%run_scoped3A : memref<!tpu.dma_semaphore, #tpu.memory_space<semaphore_mem>>) src(%arg5 : memref<640x128xf32, #tpu.memory_space<hbm>>) dst(%dma_wait3A_14 : memref<640x128xf32, #tpu.memory_space<vmem_shared>>)
      tpu.yield
    }) : () -> ()
    "tpu.region"() ({
      %run_scoped3A = tpu.sem_alloc : memref<!tpu.dma_semaphore, #tpu.memory_space<semaphore_mem>>
      %dma_start3A = arith.constant 0 : i32
      %dma_start3A_13 = arith.constant 0 : i32
      %dma_start3A_14 = tpu.memref_slice %arg2[%add3A, %dma_start3A, %dma_start3A_13] : memref<32x79x128xi32, #tpu.memory_space<hbm>> -> memref<1x79x128xi32, #tpu.memory_space<hbm>>
      %dma_start3A_15 = tpu.memref_squeeze %dma_start3A_14 : memref<1x79x128xi32, #tpu.memory_space<hbm>> -> memref<79x128xi32, #tpu.memory_space<hbm>>
      %dma_start3A_16 = arith.constant 0 : i32
      %dma_start3A_17 = arith.constant 0 : i32
      %dma_start3A_18 = tpu.memref_slice %arg2[%add3A, %dma_start3A_16, %dma_start3A_17] : memref<32x79x128xi32, #tpu.memory_space<hbm>> -> memref<1x79x128xi32, #tpu.memory_space<hbm>>
      %dma_start3A_19 = tpu.memref_squeeze %dma_start3A_18 : memref<1x79x128xi32, #tpu.memory_space<hbm>> -> memref<79x128xi32, #tpu.memory_space<hbm>>
      tpu.enqueue_dma source(%dma_start3A_19 : memref<79x128xi32, #tpu.memory_space<hbm>>) target(%arg7 : memref<79x128xi32, #tpu.memory_space<vmem>>) target_semaphore(%run_scoped3A : memref<!tpu.dma_semaphore, #tpu.memory_space<semaphore_mem>>)
      %dma_wait3A = arith.constant 0 : i32
      %dma_wait3A_20 = arith.constant 0 : i32
      %dma_wait3A_21 = tpu.memref_slice %arg2[%add3A, %dma_wait3A, %dma_wait3A_20] : memref<32x79x128xi32, #tpu.memory_space<hbm>> -> memref<1x79x128xi32, #tpu.memory_space<hbm>>
      %dma_wait3A_22 = tpu.memref_squeeze %dma_wait3A_21 : memref<1x79x128xi32, #tpu.memory_space<hbm>> -> memref<79x128xi32, #tpu.memory_space<hbm>>
      %dma_wait3A_23 = arith.constant 0 : i32
      %dma_wait3A_24 = arith.constant 0 : i32
      %dma_wait3A_25 = tpu.memref_slice %arg2[%add3A, %dma_wait3A_23, %dma_wait3A_24] : memref<32x79x128xi32, #tpu.memory_space<hbm>> -> memref<1x79x128xi32, #tpu.memory_space<hbm>>
      %dma_wait3A_26 = tpu.memref_squeeze %dma_wait3A_25 : memref<1x79x128xi32, #tpu.memory_space<hbm>> -> memref<79x128xi32, #tpu.memory_space<hbm>>
      tpu.wait_dma2 semaphore(%run_scoped3A : memref<!tpu.dma_semaphore, #tpu.memory_space<semaphore_mem>>) src(%dma_wait3A_26 : memref<79x128xi32, #tpu.memory_space<hbm>>) dst(%arg7 : memref<79x128xi32, #tpu.memory_space<vmem>>)
      tpu.yield
    }) : () -> ()
    "tpu.region"() ({
      %run_scoped3A = tpu.sem_alloc : memref<!tpu.dma_semaphore, #tpu.memory_space<semaphore_mem>>
      %dma_start3A = arith.constant 0 : i32
      %dma_start3A_13 = arith.constant 0 : i32
      %dma_start3A_14 = tpu.memref_slice %arg3[%add3A, %dma_start3A, %dma_start3A_13] : memref<32x79x128xi32, #tpu.memory_space<hbm>> -> memref<1x79x128xi32, #tpu.memory_space<hbm>>
      %dma_start3A_15 = tpu.memref_squeeze %dma_start3A_14 : memref<1x79x128xi32, #tpu.memory_space<hbm>> -> memref<79x128xi32, #tpu.memory_space<hbm>>
      %dma_start3A_16 = arith.constant 0 : i32
      %dma_start3A_17 = arith.constant 0 : i32
      %dma_start3A_18 = tpu.memref_slice %arg3[%add3A, %dma_start3A_16, %dma_start3A_17] : memref<32x79x128xi32, #tpu.memory_space<hbm>> -> memref<1x79x128xi32, #tpu.memory_space<hbm>>
      %dma_start3A_19 = tpu.memref_squeeze %dma_start3A_18 : memref<1x79x128xi32, #tpu.memory_space<hbm>> -> memref<79x128xi32, #tpu.memory_space<hbm>>
      tpu.enqueue_dma source(%dma_start3A_19 : memref<79x128xi32, #tpu.memory_space<hbm>>) target(%arg8 : memref<79x128xi32, #tpu.memory_space<vmem>>) target_semaphore(%run_scoped3A : memref<!tpu.dma_semaphore, #tpu.memory_space<semaphore_mem>>)
      %dma_wait3A = arith.constant 0 : i32
      %dma_wait3A_20 = arith.constant 0 : i32
      %dma_wait3A_21 = tpu.memref_slice %arg3[%add3A, %dma_wait3A, %dma_wait3A_20] : memref<32x79x128xi32, #tpu.memory_space<hbm>> -> memref<1x79x128xi32, #tpu.memory_space<hbm>>
      %dma_wait3A_22 = tpu.memref_squeeze %dma_wait3A_21 : memref<1x79x128xi32, #tpu.memory_space<hbm>> -> memref<79x128xi32, #tpu.memory_space<hbm>>
      %dma_wait3A_23 = arith.constant 0 : i32
      %dma_wait3A_24 = arith.constant 0 : i32
      %dma_wait3A_25 = tpu.memref_slice %arg3[%add3A, %dma_wait3A_23, %dma_wait3A_24] : memref<32x79x128xi32, #tpu.memory_space<hbm>> -> memref<1x79x128xi32, #tpu.memory_space<hbm>>
      %dma_wait3A_26 = tpu.memref_squeeze %dma_wait3A_25 : memref<1x79x128xi32, #tpu.memory_space<hbm>> -> memref<79x128xi32, #tpu.memory_space<hbm>>
      tpu.wait_dma2 semaphore(%run_scoped3A : memref<!tpu.dma_semaphore, #tpu.memory_space<semaphore_mem>>) src(%dma_wait3A_26 : memref<79x128xi32, #tpu.memory_space<hbm>>) dst(%arg8 : memref<79x128xi32, #tpu.memory_space<vmem>>)
      tpu.yield
    }) : () -> ()
    %barrier3A = arith.constant 0 : index
    tpu.barrier barrier_id(%barrier3A)
    %scan3A = arith.constant 0 : i32
    %scan3A_3 = arith.constant 0 : i32
    %scan3A_4 = arith.constant 79 : i32
    %scan3A_5 = arith.addi %scan3A_3, %scan3A_4 : i32
    %scan3A_6 = arith.constant 1 : i32
    scf.for %scan3A_13 = %scan3A_3 to %scan3A_5 step %scan3A_6  : i32 {
      %dma_start3A = arith.constant 0 : i32
      %dma_start3A_14 = tpu.memref_slice %arg7[%scan3A_13, %dma_start3A] : memref<79x128xi32, #tpu.memory_space<vmem>> -> memref<1x128xi32, #tpu.memory_space<vmem>>
      %dma_start3A_15 = tpu.memref_squeeze %dma_start3A_14 : memref<1x128xi32, #tpu.memory_space<vmem>> -> memref<128xi32, #tpu.memory_space<vmem>>
      %dma_start3A_16 = arith.constant 0 : i32
      %dma_start3A_17 = arith.constant 0 : i32
      %dma_start3A_18 = tpu.memref_slice %arg4[%dma_start3A_16, %dma_start3A_17] : memref<10000x128xf32, #tpu.memory_space<hbm>> -> memref<10000x128xf32, #tpu.memory_space<hbm>>
      tpu.enqueue_indirect_dma source(%dma_start3A_18 : memref<10000x128xf32, #tpu.memory_space<hbm>>) target(%arg9 : memref<128x128xf32, #tpu.memory_space<vmem>>) offsets(%dma_start3A_15 : memref<128xi32, #tpu.memory_space<vmem>>) semaphore(%arg11 : memref<!tpu.dma_semaphore, #tpu.memory_space<semaphore_mem>>)
      %dma_wait3A = arith.constant 0 : i32
      %dma_wait3A_19 = tpu.memref_slice %arg7[%scan3A_13, %dma_wait3A] : memref<79x128xi32, #tpu.memory_space<vmem>> -> memref<1x128xi32, #tpu.memory_space<vmem>>
      %dma_wait3A_20 = tpu.memref_squeeze %dma_wait3A_19 : memref<1x128xi32, #tpu.memory_space<vmem>> -> memref<128xi32, #tpu.memory_space<vmem>>
      %dma_wait3A_21 = arith.constant 0 : i32
      %dma_wait3A_22 = arith.constant 0 : i32
      %dma_wait3A_23 = tpu.memref_slice %arg4[%dma_wait3A_21, %dma_wait3A_22] : memref<10000x128xf32, #tpu.memory_space<hbm>> -> memref<10000x128xf32, #tpu.memory_space<hbm>>
      tpu.wait_indirect_dma semaphore(%arg11 : memref<!tpu.dma_semaphore, #tpu.memory_space<semaphore_mem>>) src(%dma_wait3A_23 : memref<10000x128xf32, #tpu.memory_space<hbm>>) dst(%arg9 : memref<128x128xf32, #tpu.memory_space<vmem>>)
      "tpu.region"() ({
        %run_scoped3A = tpu.sem_alloc : memref<!tpu.dma_semaphore, #tpu.memory_space<semaphore_mem>>
        %dma_start3A_24 = arith.constant 0 : i32
        %dma_start3A_25 = tpu.memref_slice %arg8[%scan3A_13, %dma_start3A_24] : memref<79x128xi32, #tpu.memory_space<vmem>> -> memref<1x128xi32, #tpu.memory_space<vmem>>
        %dma_start3A_26 = tpu.memref_squeeze %dma_start3A_25 : memref<1x128xi32, #tpu.memory_space<vmem>> -> memref<128xi32, #tpu.memory_space<vmem>>
        %dma_start3A_27 = arith.constant 0 : i32
        %dma_start3A_28 = arith.constant 0 : i32
        %dma_start3A_29 = tpu.memref_slice %arg10[%dma_start3A_27, %dma_start3A_28] : memref<10240x128xf32, #tpu.memory_space<vmem_shared>> -> memref<10240x128xf32, #tpu.memory_space<vmem_shared>>
        tpu.enqueue_indirect_dma source(%arg9 : memref<128x128xf32, #tpu.memory_space<vmem>>) target(%dma_start3A_29 : memref<10240x128xf32, #tpu.memory_space<vmem_shared>>) offsets(%dma_start3A_26 : memref<128xi32, #tpu.memory_space<vmem>>) semaphore(%run_scoped3A : memref<!tpu.dma_semaphore, #tpu.memory_space<semaphore_mem>>) {add = true}
        %dma_wait3A_30 = arith.constant 0 : i32
        %dma_wait3A_31 = tpu.memref_slice %arg8[%scan3A_13, %dma_wait3A_30] : memref<79x128xi32, #tpu.memory_space<vmem>> -> memref<1x128xi32, #tpu.memory_space<vmem>>
        %dma_wait3A_32 = tpu.memref_squeeze %dma_wait3A_31 : memref<1x128xi32, #tpu.memory_space<vmem>> -> memref<128xi32, #tpu.memory_space<vmem>>
        %dma_wait3A_33 = arith.constant 0 : i32
        %dma_wait3A_34 = arith.constant 0 : i32
        %dma_wait3A_35 = tpu.memref_slice %arg10[%dma_wait3A_33, %dma_wait3A_34] : memref<10240x128xf32, #tpu.memory_space<vmem_shared>> -> memref<10240x128xf32, #tpu.memory_space<vmem_shared>>
        tpu.wait_indirect_dma semaphore(%run_scoped3A : memref<!tpu.dma_semaphore, #tpu.memory_space<semaphore_mem>>) src(%arg9 : memref<128x128xf32, #tpu.memory_space<vmem>>) dst(%dma_wait3A_35 : memref<10240x128xf32, #tpu.memory_space<vmem_shared>>)
        tpu.yield
      }) : () -> ()
    }
    %scan3A_7 = arith.constant 79 : i32
    %barrier3A_8 = arith.constant 0 : index
    tpu.barrier barrier_id(%barrier3A_8)
    %mul3A_9 = arith.constant 640 : i32
    %mul3A_10 = arith.muli %arg1, %mul3A_9 : i32
    %mul3A_11 = arith.constant 640 : i32
    %mul3A_12 = arith.muli %arg1, %mul3A_11 : i32
    "tpu.region"() ({
      %run_scoped3A = tpu.sem_alloc : memref<!tpu.dma_semaphore, #tpu.memory_space<semaphore_mem>>
      %dma_start3A = arith.constant 0 : i32
      %dma_start3A_13 = arith.constant 0 : i32
      %dma_start3A_14 = tpu.memref_slice %arg6[%arg0, %dma_start3A, %dma_start3A_13] : memref<2x10240x128xf32, #tpu.memory_space<hbm>> -> memref<1x10240x128xf32, #tpu.memory_space<hbm>>
      %dma_start3A_15 = tpu.memref_squeeze %dma_start3A_14 : memref<1x10240x128xf32, #tpu.memory_space<hbm>> -> memref<10240x128xf32, #tpu.memory_space<hbm>>
      %dma_start3A_16 = arith.constant 0 : i32
      %dma_start3A_17 = tpu.memref_slice %dma_start3A_15[%mul3A_12, %dma_start3A_16] : memref<10240x128xf32, #tpu.memory_space<hbm>> -> memref<640x128xf32, #tpu.memory_space<hbm>>
      %dma_start3A_18 = arith.constant 0 : i32
      %dma_start3A_19 = tpu.memref_slice %arg10[%mul3A_10, %dma_start3A_18] : memref<10240x128xf32, #tpu.memory_space<vmem_shared>> -> memref<640x128xf32, #tpu.memory_space<vmem_shared>>
      tpu.enqueue_dma source(%dma_start3A_19 : memref<640x128xf32, #tpu.memory_space<vmem_shared>>) target(%dma_start3A_17 : memref<640x128xf32, #tpu.memory_space<hbm>>) target_semaphore(%run_scoped3A : memref<!tpu.dma_semaphore, #tpu.memory_space<semaphore_mem>>)
      %dma_wait3A = arith.constant 0 : i32
      %dma_wait3A_20 = arith.constant 0 : i32
      %dma_wait3A_21 = tpu.memref_slice %arg6[%arg0, %dma_wait3A, %dma_wait3A_20] : memref<2x10240x128xf32, #tpu.memory_space<hbm>> -> memref<1x10240x128xf32, #tpu.memory_space<hbm>>
      %dma_wait3A_22 = tpu.memref_squeeze %dma_wait3A_21 : memref<1x10240x128xf32, #tpu.memory_space<hbm>> -> memref<10240x128xf32, #tpu.memory_space<hbm>>
      %dma_wait3A_23 = arith.constant 0 : i32
      %dma_wait3A_24 = tpu.memref_slice %dma_wait3A_22[%mul3A_12, %dma_wait3A_23] : memref<10240x128xf32, #tpu.memory_space<hbm>> -> memref<640x128xf32, #tpu.memory_space<hbm>>
      %dma_wait3A_25 = arith.constant 0 : i32
      %dma_wait3A_26 = tpu.memref_slice %arg10[%mul3A_10, %dma_wait3A_25] : memref<10240x128xf32, #tpu.memory_space<vmem_shared>> -> memref<640x128xf32, #tpu.memory_space<vmem_shared>>
      tpu.wait_dma2 semaphore(%run_scoped3A : memref<!tpu.dma_semaphore, #tpu.memory_space<semaphore_mem>>) src(%dma_wait3A_26 : memref<640x128xf32, #tpu.memory_space<vmem_shared>>) dst(%dma_wait3A_24 : memref<640x128xf32, #tpu.memory_space<hbm>>)
      tpu.yield
    }) : () -> ()
    return
  }
}

#map = affine_map<(d0, d1) -> (0, 0, 0)>
#map1 = affine_map<(d0, d1) -> (0, 0)>
module attributes {stable_mosaic.version = 14 : i64} {
  func.func @_deg_body(%arg0: i32, %arg1: i32, %arg2: memref<32x79x128xi32, #tpu.memory_space<hbm>>, %arg3: memref<2x10240xf32, #tpu.memory_space<hbm>>, %arg4: memref<79x128xi32, #tpu.memory_space<vmem>>, %arg5: memref<128xf32, #tpu.memory_space<vmem>>, %arg6: memref<640xf32, #tpu.memory_space<vmem>>, %arg7: memref<10240xf32, #tpu.memory_space<vmem_shared>>) attributes {dimension_semantics = [#tpu.dimension_semantics<core_parallel>, #tpu.dimension_semantics<subcore_parallel>], iteration_bounds = array<i64: 2, 16>, scalar_prefetch = 0 : i64, scratch_operands = 4 : i64, tpu.core_type = #tpu.core_type<sc_vector_subcore>, window_params = [{transform_indices = #map}, {transform_indices = #map1}]} {
    %mul3A = arith.constant 16 : i32
    %mul3A_0 = arith.muli %arg0, %mul3A : i32
    %add3A = arith.addi %mul3A_0, %arg1 : i32
    %broadcast_in_dim3A = arith.constant 1.000000e+00 : f32
    %broadcast_in_dim3A_1 = vector.broadcast %broadcast_in_dim3A : f32 to vector<16xf32>
    %swap3A = arith.constant 0 : index
    %swap3A_2 = tpu.vector_load %arg5[%swap3A] {strides = array<i32>} : memref<128xf32, #tpu.memory_space<vmem>>, vector<16xf32>,
    %swap3A_3 = vector.shape_cast %swap3A_2 : vector<16xf32> to vector<16xf32>
    %swap3A_4 = vector.shape_cast %broadcast_in_dim3A_1 : vector<16xf32> to vector<16xf32>
    tpu.vector_store %arg5[%swap3A], %swap3A_4 {strides = array<i32>} : memref<128xf32, #tpu.memory_space<vmem>>, vector<16xf32>,
    %broadcast_in_dim3A_5 = arith.constant 1.000000e+00 : f32
    %broadcast_in_dim3A_6 = vector.broadcast %broadcast_in_dim3A_5 : f32 to vector<16xf32>
    %swap3A_7 = arith.constant 16 : index
    %swap3A_8 = tpu.vector_load %arg5[%swap3A_7] {strides = array<i32>} : memref<128xf32, #tpu.memory_space<vmem>>, vector<16xf32>,
    %swap3A_9 = vector.shape_cast %swap3A_8 : vector<16xf32> to vector<16xf32>
    %swap3A_10 = vector.shape_cast %broadcast_in_dim3A_6 : vector<16xf32> to vector<16xf32>
    tpu.vector_store %arg5[%swap3A_7], %swap3A_10 {strides = array<i32>} : memref<128xf32, #tpu.memory_space<vmem>>, vector<16xf32>,
    %broadcast_in_dim3A_11 = arith.constant 1.000000e+00 : f32
    %broadcast_in_dim3A_12 = vector.broadcast %broadcast_in_dim3A_11 : f32 to vector<16xf32>
    %swap3A_13 = arith.constant 32 : index
    %swap3A_14 = tpu.vector_load %arg5[%swap3A_13] {strides = array<i32>} : memref<128xf32, #tpu.memory_space<vmem>>, vector<16xf32>,
    %swap3A_15 = vector.shape_cast %swap3A_14 : vector<16xf32> to vector<16xf32>
    %swap3A_16 = vector.shape_cast %broadcast_in_dim3A_12 : vector<16xf32> to vector<16xf32>
    tpu.vector_store %arg5[%swap3A_13], %swap3A_16 {strides = array<i32>} : memref<128xf32, #tpu.memory_space<vmem>>, vector<16xf32>,
    %broadcast_in_dim3A_17 = arith.constant 1.000000e+00 : f32
    %broadcast_in_dim3A_18 = vector.broadcast %broadcast_in_dim3A_17 : f32 to vector<16xf32>
    %swap3A_19 = arith.constant 48 : index
    %swap3A_20 = tpu.vector_load %arg5[%swap3A_19] {strides = array<i32>} : memref<128xf32, #tpu.memory_space<vmem>>, vector<16xf32>,
    %swap3A_21 = vector.shape_cast %swap3A_20 : vector<16xf32> to vector<16xf32>
    %swap3A_22 = vector.shape_cast %broadcast_in_dim3A_18 : vector<16xf32> to vector<16xf32>
    tpu.vector_store %arg5[%swap3A_19], %swap3A_22 {strides = array<i32>} : memref<128xf32, #tpu.memory_space<vmem>>, vector<16xf32>,
    %broadcast_in_dim3A_23 = arith.constant 1.000000e+00 : f32
    %broadcast_in_dim3A_24 = vector.broadcast %broadcast_in_dim3A_23 : f32 to vector<16xf32>
    %swap3A_25 = arith.constant 64 : index
    %swap3A_26 = tpu.vector_load %arg5[%swap3A_25] {strides = array<i32>} : memref<128xf32, #tpu.memory_space<vmem>>, vector<16xf32>,
    %swap3A_27 = vector.shape_cast %swap3A_26 : vector<16xf32> to vector<16xf32>
    %swap3A_28 = vector.shape_cast %broadcast_in_dim3A_24 : vector<16xf32> to vector<16xf32>
    tpu.vector_store %arg5[%swap3A_25], %swap3A_28 {strides = array<i32>} : memref<128xf32, #tpu.memory_space<vmem>>, vector<16xf32>,
    %broadcast_in_dim3A_29 = arith.constant 1.000000e+00 : f32
    %broadcast_in_dim3A_30 = vector.broadcast %broadcast_in_dim3A_29 : f32 to vector<16xf32>
    %swap3A_31 = arith.constant 80 : index
    %swap3A_32 = tpu.vector_load %arg5[%swap3A_31] {strides = array<i32>} : memref<128xf32, #tpu.memory_space<vmem>>, vector<16xf32>,
    %swap3A_33 = vector.shape_cast %swap3A_32 : vector<16xf32> to vector<16xf32>
    %swap3A_34 = vector.shape_cast %broadcast_in_dim3A_30 : vector<16xf32> to vector<16xf32>
    tpu.vector_store %arg5[%swap3A_31], %swap3A_34 {strides = array<i32>} : memref<128xf32, #tpu.memory_space<vmem>>, vector<16xf32>,
    %broadcast_in_dim3A_35 = arith.constant 1.000000e+00 : f32
    %broadcast_in_dim3A_36 = vector.broadcast %broadcast_in_dim3A_35 : f32 to vector<16xf32>
    %swap3A_37 = arith.constant 96 : index
    %swap3A_38 = tpu.vector_load %arg5[%swap3A_37] {strides = array<i32>} : memref<128xf32, #tpu.memory_space<vmem>>, vector<16xf32>,
    %swap3A_39 = vector.shape_cast %swap3A_38 : vector<16xf32> to vector<16xf32>
    %swap3A_40 = vector.shape_cast %broadcast_in_dim3A_36 : vector<16xf32> to vector<16xf32>
    tpu.vector_store %arg5[%swap3A_37], %swap3A_40 {strides = array<i32>} : memref<128xf32, #tpu.memory_space<vmem>>, vector<16xf32>,
    %broadcast_in_dim3A_41 = arith.constant 1.000000e+00 : f32
    %broadcast_in_dim3A_42 = vector.broadcast %broadcast_in_dim3A_41 : f32 to vector<16xf32>
    %swap3A_43 = arith.constant 112 : index
    %swap3A_44 = tpu.vector_load %arg5[%swap3A_43] {strides = array<i32>} : memref<128xf32, #tpu.memory_space<vmem>>, vector<16xf32>,
    %swap3A_45 = vector.shape_cast %swap3A_44 : vector<16xf32> to vector<16xf32>
    %swap3A_46 = vector.shape_cast %broadcast_in_dim3A_42 : vector<16xf32> to vector<16xf32>
    tpu.vector_store %arg5[%swap3A_43], %swap3A_46 {strides = array<i32>} : memref<128xf32, #tpu.memory_space<vmem>>, vector<16xf32>,
    %scan3A = arith.constant 0 : i32
    %scan3A_47 = arith.constant 0 : i32
    %scan3A_48 = arith.constant 40 : i32
    %scan3A_49 = arith.addi %scan3A_47, %scan3A_48 : i32
    %scan3A_50 = arith.constant 1 : i32
    scf.for %scan3A_65 = %scan3A_47 to %scan3A_49 step %scan3A_50  : i32 {
      %broadcast_in_dim3A_66 = arith.constant 0.000000e+00 : f32
      %broadcast_in_dim3A_67 = vector.broadcast %broadcast_in_dim3A_66 : f32 to vector<16xf32>
      %mul3A_68 = arith.constant 16 : i32
      %mul3A_69 = arith.muli %scan3A_65, %mul3A_68 : i32
      %swap3A_70 = arith.index_cast %mul3A_69 : i32 to index
      %swap3A_71 = tpu.vector_load %arg6[%swap3A_70] {strides = array<i32>} : memref<640xf32, #tpu.memory_space<vmem>>, vector<16xf32>,
      %swap3A_72 = vector.shape_cast %swap3A_71 : vector<16xf32> to vector<16xf32>
      %swap3A_73 = vector.shape_cast %broadcast_in_dim3A_67 : vector<16xf32> to vector<16xf32>
      tpu.vector_store %arg6[%swap3A_70], %swap3A_73 {strides = array<i32>} : memref<640xf32, #tpu.memory_space<vmem>>, vector<16xf32>,
    }
    %scan3A_51 = arith.constant 40 : i32
    %mul3A_52 = arith.constant 640 : i32
    %mul3A_53 = arith.muli %arg1, %mul3A_52 : i32
    "tpu.region"() ({
      %run_scoped3A = tpu.sem_alloc : memref<!tpu.dma_semaphore, #tpu.memory_space<semaphore_mem>>
      %dma_start3A = tpu.memref_slice %arg7[%mul3A_53] : memref<10240xf32, #tpu.memory_space<vmem_shared>> -> memref<640xf32, #tpu.memory_space<vmem_shared>>
      %dma_start3A_65 = tpu.memref_slice %arg7[%mul3A_53] : memref<10240xf32, #tpu.memory_space<vmem_shared>> -> memref<640xf32, #tpu.memory_space<vmem_shared>>
      tpu.enqueue_dma source(%arg6 : memref<640xf32, #tpu.memory_space<vmem>>) target(%dma_start3A_65 : memref<640xf32, #tpu.memory_space<vmem_shared>>) target_semaphore(%run_scoped3A : memref<!tpu.dma_semaphore, #tpu.memory_space<semaphore_mem>>)
      %dma_wait3A = tpu.memref_slice %arg7[%mul3A_53] : memref<10240xf32, #tpu.memory_space<vmem_shared>> -> memref<640xf32, #tpu.memory_space<vmem_shared>>
      %dma_wait3A_66 = tpu.memref_slice %arg7[%mul3A_53] : memref<10240xf32, #tpu.memory_space<vmem_shared>> -> memref<640xf32, #tpu.memory_space<vmem_shared>>
      tpu.wait_dma2 semaphore(%run_scoped3A : memref<!tpu.dma_semaphore, #tpu.memory_space<semaphore_mem>>) src(%arg6 : memref<640xf32, #tpu.memory_space<vmem>>) dst(%dma_wait3A_66 : memref<640xf32, #tpu.memory_space<vmem_shared>>)
      tpu.yield
    }) : () -> ()
    "tpu.region"() ({
      %run_scoped3A = tpu.sem_alloc : memref<!tpu.dma_semaphore, #tpu.memory_space<semaphore_mem>>
      %dma_start3A = arith.constant 0 : i32
      %dma_start3A_65 = arith.constant 0 : i32
      %dma_start3A_66 = tpu.memref_slice %arg2[%add3A, %dma_start3A, %dma_start3A_65] : memref<32x79x128xi32, #tpu.memory_space<hbm>> -> memref<1x79x128xi32, #tpu.memory_space<hbm>>
      %dma_start3A_67 = tpu.memref_squeeze %dma_start3A_66 : memref<1x79x128xi32, #tpu.memory_space<hbm>> -> memref<79x128xi32, #tpu.memory_space<hbm>>
      %dma_start3A_68 = arith.constant 0 : i32
      %dma_start3A_69 = arith.constant 0 : i32
      %dma_start3A_70 = tpu.memref_slice %arg2[%add3A, %dma_start3A_68, %dma_start3A_69] : memref<32x79x128xi32, #tpu.memory_space<hbm>> -> memref<1x79x128xi32, #tpu.memory_space<hbm>>
      %dma_start3A_71 = tpu.memref_squeeze %dma_start3A_70 : memref<1x79x128xi32, #tpu.memory_space<hbm>> -> memref<79x128xi32, #tpu.memory_space<hbm>>
      tpu.enqueue_dma source(%dma_start3A_71 : memref<79x128xi32, #tpu.memory_space<hbm>>) target(%arg4 : memref<79x128xi32, #tpu.memory_space<vmem>>) target_semaphore(%run_scoped3A : memref<!tpu.dma_semaphore, #tpu.memory_space<semaphore_mem>>)
      %dma_wait3A = arith.constant 0 : i32
      %dma_wait3A_72 = arith.constant 0 : i32
      %dma_wait3A_73 = tpu.memref_slice %arg2[%add3A, %dma_wait3A, %dma_wait3A_72] : memref<32x79x128xi32, #tpu.memory_space<hbm>> -> memref<1x79x128xi32, #tpu.memory_space<hbm>>
      %dma_wait3A_74 = tpu.memref_squeeze %dma_wait3A_73 : memref<1x79x128xi32, #tpu.memory_space<hbm>> -> memref<79x128xi32, #tpu.memory_space<hbm>>
      %dma_wait3A_75 = arith.constant 0 : i32
      %dma_wait3A_76 = arith.constant 0 : i32
      %dma_wait3A_77 = tpu.memref_slice %arg2[%add3A, %dma_wait3A_75, %dma_wait3A_76] : memref<32x79x128xi32, #tpu.memory_space<hbm>> -> memref<1x79x128xi32, #tpu.memory_space<hbm>>
      %dma_wait3A_78 = tpu.memref_squeeze %dma_wait3A_77 : memref<1x79x128xi32, #tpu.memory_space<hbm>> -> memref<79x128xi32, #tpu.memory_space<hbm>>
      tpu.wait_dma2 semaphore(%run_scoped3A : memref<!tpu.dma_semaphore, #tpu.memory_space<semaphore_mem>>) src(%dma_wait3A_78 : memref<79x128xi32, #tpu.memory_space<hbm>>) dst(%arg4 : memref<79x128xi32, #tpu.memory_space<vmem>>)
      tpu.yield
    }) : () -> ()
    %barrier3A = arith.constant 0 : index
    tpu.barrier barrier_id(%barrier3A)
    %scan3A_54 = arith.constant 0 : i32
    %scan3A_55 = arith.constant 0 : i32
    %scan3A_56 = arith.constant 79 : i32
    %scan3A_57 = arith.addi %scan3A_55, %scan3A_56 : i32
    %scan3A_58 = arith.constant 1 : i32
    scf.for %scan3A_65 = %scan3A_55 to %scan3A_57 step %scan3A_58  : i32 {
      "tpu.region"() ({
        %run_scoped3A = tpu.sem_alloc : memref<!tpu.dma_semaphore, #tpu.memory_space<semaphore_mem>>
        %dma_start3A = arith.constant 0 : i32
        %dma_start3A_66 = tpu.memref_slice %arg4[%scan3A_65, %dma_start3A] : memref<79x128xi32, #tpu.memory_space<vmem>> -> memref<1x128xi32, #tpu.memory_space<vmem>>
        %dma_start3A_67 = tpu.memref_squeeze %dma_start3A_66 : memref<1x128xi32, #tpu.memory_space<vmem>> -> memref<128xi32, #tpu.memory_space<vmem>>
        %dma_start3A_68 = arith.constant 0 : i32
        %dma_start3A_69 = tpu.memref_slice %arg7[%dma_start3A_68] : memref<10240xf32, #tpu.memory_space<vmem_shared>> -> memref<10240xf32, #tpu.memory_space<vmem_shared>>
        tpu.enqueue_indirect_dma source(%arg5 : memref<128xf32, #tpu.memory_space<vmem>>) target(%dma_start3A_69 : memref<10240xf32, #tpu.memory_space<vmem_shared>>) offsets(%dma_start3A_67 : memref<128xi32, #tpu.memory_space<vmem>>) semaphore(%run_scoped3A : memref<!tpu.dma_semaphore, #tpu.memory_space<semaphore_mem>>) {add = true}
        %dma_wait3A = arith.constant 0 : i32
        %dma_wait3A_70 = tpu.memref_slice %arg4[%scan3A_65, %dma_wait3A] : memref<79x128xi32, #tpu.memory_space<vmem>> -> memref<1x128xi32, #tpu.memory_space<vmem>>
        %dma_wait3A_71 = tpu.memref_squeeze %dma_wait3A_70 : memref<1x128xi32, #tpu.memory_space<vmem>> -> memref<128xi32, #tpu.memory_space<vmem>>
        %dma_wait3A_72 = arith.constant 0 : i32
        %dma_wait3A_73 = tpu.memref_slice %arg7[%dma_wait3A_72] : memref<10240xf32, #tpu.memory_space<vmem_shared>> -> memref<10240xf32, #tpu.memory_space<vmem_shared>>
        tpu.wait_indirect_dma semaphore(%run_scoped3A : memref<!tpu.dma_semaphore, #tpu.memory_space<semaphore_mem>>) src(%arg5 : memref<128xf32, #tpu.memory_space<vmem>>) dst(%dma_wait3A_73 : memref<10240xf32, #tpu.memory_space<vmem_shared>>)
        tpu.yield
      }) : () -> ()
    }
    %scan3A_59 = arith.constant 79 : i32
    %barrier3A_60 = arith.constant 0 : index
    tpu.barrier barrier_id(%barrier3A_60)
    %mul3A_61 = arith.constant 640 : i32
    %mul3A_62 = arith.muli %arg1, %mul3A_61 : i32
    %mul3A_63 = arith.constant 640 : i32
    %mul3A_64 = arith.muli %arg1, %mul3A_63 : i32
    "tpu.region"() ({
      %run_scoped3A = tpu.sem_alloc : memref<!tpu.dma_semaphore, #tpu.memory_space<semaphore_mem>>
      %dma_start3A = arith.constant 0 : i32
      %dma_start3A_65 = tpu.memref_slice %arg3[%arg0, %dma_start3A] : memref<2x10240xf32, #tpu.memory_space<hbm>> -> memref<1x10240xf32, #tpu.memory_space<hbm>>
      %dma_start3A_66 = tpu.memref_squeeze %dma_start3A_65 : memref<1x10240xf32, #tpu.memory_space<hbm>> -> memref<10240xf32, #tpu.memory_space<hbm>>
      %dma_start3A_67 = tpu.memref_slice %dma_start3A_66[%mul3A_64] : memref<10240xf32, #tpu.memory_space<hbm>> -> memref<640xf32, #tpu.memory_space<hbm>>
      %dma_start3A_68 = tpu.memref_slice %arg7[%mul3A_62] : memref<10240xf32, #tpu.memory_space<vmem_shared>> -> memref<640xf32, #tpu.memory_space<vmem_shared>>
      tpu.enqueue_dma source(%dma_start3A_68 : memref<640xf32, #tpu.memory_space<vmem_shared>>) target(%dma_start3A_67 : memref<640xf32, #tpu.memory_space<hbm>>) target_semaphore(%run_scoped3A : memref<!tpu.dma_semaphore, #tpu.memory_space<semaphore_mem>>)
      %dma_wait3A = arith.constant 0 : i32
      %dma_wait3A_69 = tpu.memref_slice %arg3[%arg0, %dma_wait3A] : memref<2x10240xf32, #tpu.memory_space<hbm>> -> memref<1x10240xf32, #tpu.memory_space<hbm>>
      %dma_wait3A_70 = tpu.memref_squeeze %dma_wait3A_69 : memref<1x10240xf32, #tpu.memory_space<hbm>> -> memref<10240xf32, #tpu.memory_space<hbm>>
      %dma_wait3A_71 = tpu.memref_slice %dma_wait3A_70[%mul3A_64] : memref<10240xf32, #tpu.memory_space<hbm>> -> memref<640xf32, #tpu.memory_space<hbm>>
      %dma_wait3A_72 = tpu.memref_slice %arg7[%mul3A_62] : memref<10240xf32, #tpu.memory_space<vmem_shared>> -> memref<640xf32, #tpu.memory_space<vmem_shared>>
      tpu.wait_dma2 semaphore(%run_scoped3A : memref<!tpu.dma_semaphore, #tpu.memory_space<semaphore_mem>>) src(%dma_wait3A_72 : memref<640xf32, #tpu.memory_space<vmem_shared>>) dst(%dma_wait3A_71 : memref<640xf32, #tpu.memory_space<hbm>>)
      tpu.yield
    }) : () -> ()
    return
  }
}

module attributes {stable_mosaic.version = 14 : i64} {
  func.func @_mm_body(%arg0: i32, %arg1: memref<400x128xf32, #tpu.memory_space<vmem>>, %arg2: memref<128x128xf32, #tpu.memory_space<vmem>>, %arg3: memref<400x2xf32, #tpu.memory_space<vmem>>, %arg4: memref<400x128xf32, #tpu.memory_space<vmem>>) attributes {dimension_semantics = [#tpu.dimension_semantics<arbitrary>], iteration_bounds = array<i64: 25>, scalar_prefetch = 0 : i64, scratch_operands = 0 : i64, tpu.core_type = #tpu.core_type<tc>, window_params = [{transform_indices = @transform_0, window_bounds = array<i64: 400, 128>}, {pipeline_mode = #tpu.pipeline_mode<synchronous>, transform_indices = @transform_1, window_bounds = array<i64: 128, 128>}, {transform_indices = @transform_2, window_bounds = array<i64: 400, 2>}, {transform_indices = @transform_3, window_bounds = array<i64: 400, 128>}]} {
    %get3A = arith.constant 0 : index
    %get3A_0 = arith.constant 0 : index
    %get3A_1 = vector.load %arg3[%get3A, %get3A_0] : memref<400x2xf32, #tpu.memory_space<vmem>>, vector<400x1xf32>
    %get3A_2 = vector.shape_cast %get3A_1 : vector<400x1xf32> to vector<400xf32>
    %get3A_3 = arith.constant 0 : index
    %get3A_4 = arith.constant 1 : index
    %get3A_5 = vector.load %arg3[%get3A_3, %get3A_4] : memref<400x2xf32, #tpu.memory_space<vmem>>, vector<400x1xf32>
    %get3A_6 = vector.shape_cast %get3A_5 : vector<400x1xf32> to vector<400xf32>
    %add3A = arith.addf %get3A_2, %get3A_6 : vector<400xf32>
    %add3A_7 = arith.constant 1.000000e+00 : f32
    %add3A_8 = vector.broadcast %add3A_7 : f32 to vector<400xf32>
    %add3A_9 = arith.addf %add3A, %add3A_8 : vector<400xf32>
    %rsqrt3A = math.rsqrt %add3A_9 : vector<400xf32>
    %get3A_10 = arith.constant 0 : index
    %get3A_11 = arith.constant 0 : index
    %get3A_12 = vector.load %arg1[%get3A_10, %get3A_11] : memref<400x128xf32, #tpu.memory_space<vmem>>, vector<400x128xf32>
    %get3A_13 = arith.constant 0 : index
    %get3A_14 = arith.constant 0 : index
    %get3A_15 = vector.load %arg2[%get3A_13, %get3A_14] : memref<128x128xf32, #tpu.memory_space<vmem>>, vector<128x128xf32>
    %dot_general3A = arith.constant dense<0.000000e+00> : vector<400x128xf32>
    %dot_general3A_16 = tpu.matmul %get3A_12, %get3A_15, %dot_general3A {dimension_numbers = #tpu.dot_dimension_numbers<[1], [0], [0], [1], [0, 0, 1, 1], [], []>, transpose_lhs_hint = false} : vector<400x128xf32>, vector<128x128xf32>, vector<400x128xf32> -> vector<400x128xf32>
    %broadcast_in_dim3A = vector.shape_cast %rsqrt3A : vector<400xf32> to vector<400x1xf32>
    %mul3A = vector.broadcast %broadcast_in_dim3A : vector<400x1xf32> to vector<400x128xf32>
    %mul3A_17 = arith.mulf %dot_general3A_16, %mul3A : vector<400x128xf32>
    %swap3A = arith.constant 0 : index
    %swap3A_18 = arith.constant 0 : index
    %swap3A_19 = vector.load %arg4[%swap3A, %swap3A_18] : memref<400x128xf32, #tpu.memory_space<vmem>>, vector<400x128xf32>
    tpu.vector_store %arg4[%swap3A, %swap3A_18], %mul3A_17 {strides = array<i32>} : memref<400x128xf32, #tpu.memory_space<vmem>>, vector<400x128xf32>,
    return
  }
  func.func @transform_0(%arg0: i32) -> (i32, i32) {
    %c0_i32 = arith.constant 0 : i32
    %c0_i32_0 = arith.constant 0 : i32
    return %arg0, %c0_i32 : i32, i32
  }
  func.func @transform_1(%arg0: i32) -> (i32, i32) {
    %c0_i32 = arith.constant 0 : i32
    %c0_i32_0 = arith.constant 0 : i32
    %c0_i32_1 = arith.constant 0 : i32
    return %c0_i32, %c0_i32_0 : i32, i32
  }
  func.func @transform_2(%arg0: i32) -> (i32, i32) {
    %c0_i32 = arith.constant 0 : i32
    %c0_i32_0 = arith.constant 0 : i32
    return %arg0, %c0_i32 : i32, i32
  }
  func.func @transform_3(%arg0: i32) -> (i32, i32) {
    %c0_i32 = arith.constant 0 : i32
    %c0_i32_0 = arith.constant 0 : i32
    return %arg0, %c0_i32 : i32, i32
  }
}

module attributes {stable_mosaic.version = 14 : i64} {
  func.func @_act_body(%arg0: i32, %arg1: memref<2x400x128xf32, #tpu.memory_space<vmem>>, %arg2: memref<400x128xf32, #tpu.memory_space<vmem>>, %arg3: memref<400x2xf32, #tpu.memory_space<vmem>>, %arg4: memref<1x128xf32, #tpu.memory_space<vmem>>, %arg5: memref<400x128xf32, #tpu.memory_space<vmem>>, %arg6: memref<8x128xf32, #tpu.memory_space<vmem>>) attributes {dimension_semantics = [#tpu.dimension_semantics<arbitrary>], iteration_bounds = array<i64: 25>, scalar_prefetch = 0 : i64, scratch_operands = 0 : i64, tpu.core_type = #tpu.core_type<tc>, window_params = [{transform_indices = @transform_0, window_bounds = array<i64: 2, 400, 128>}, {transform_indices = @transform_1, window_bounds = array<i64: 400, 128>}, {transform_indices = @transform_2, window_bounds = array<i64: 400, 2>}, {pipeline_mode = #tpu.pipeline_mode<synchronous>, transform_indices = @transform_3, window_bounds = array<i64: 1, 128>}, {transform_indices = @transform_4, window_bounds = array<i64: 400, 128>}, {pipeline_mode = #tpu.pipeline_mode<synchronous>, transform_indices = @transform_5, window_bounds = array<i64: 8, 128>}]} {
    %get3A = arith.constant 0 : index
    %get3A_0 = arith.constant 0 : index
    %get3A_1 = vector.load %arg3[%get3A, %get3A_0] : memref<400x2xf32, #tpu.memory_space<vmem>>, vector<400x1xf32>
    %get3A_2 = vector.shape_cast %get3A_1 : vector<400x1xf32> to vector<400xf32>
    %get3A_3 = arith.constant 0 : index
    %get3A_4 = arith.constant 1 : index
    %get3A_5 = vector.load %arg3[%get3A_3, %get3A_4] : memref<400x2xf32, #tpu.memory_space<vmem>>, vector<400x1xf32>
    %get3A_6 = vector.shape_cast %get3A_5 : vector<400x1xf32> to vector<400xf32>
    %add3A = arith.addf %get3A_2, %get3A_6 : vector<400xf32>
    %add3A_7 = arith.constant 1.000000e+00 : f32
    %add3A_8 = vector.broadcast %add3A_7 : f32 to vector<400xf32>
    %add3A_9 = arith.addf %add3A, %add3A_8 : vector<400xf32>
    %rsqrt3A = math.rsqrt %add3A_9 : vector<400xf32>
    %get3A_10 = arith.constant 0 : index
    %get3A_11 = arith.constant 0 : index
    %get3A_12 = arith.constant 0 : index
    %get3A_13 = vector.load %arg1[%get3A_10, %get3A_11, %get3A_12] : memref<2x400x128xf32, #tpu.memory_space<vmem>>, vector<1x400x128xf32>
    %get3A_14 = vector.shape_cast %get3A_13 : vector<1x400x128xf32> to vector<400x128xf32>
    %get3A_15 = arith.constant 1 : index
    %get3A_16 = arith.constant 0 : index
    %get3A_17 = arith.constant 0 : index
    %get3A_18 = vector.load %arg1[%get3A_15, %get3A_16, %get3A_17] : memref<2x400x128xf32, #tpu.memory_space<vmem>>, vector<1x400x128xf32>
    %get3A_19 = vector.shape_cast %get3A_18 : vector<1x400x128xf32> to vector<400x128xf32>
    %add3A_20 = arith.addf %get3A_14, %get3A_19 : vector<400x128xf32>
    %get3A_21 = arith.constant 0 : index
    %get3A_22 = arith.constant 0 : index
    %get3A_23 = vector.load %arg2[%get3A_21, %get3A_22] : memref<400x128xf32, #tpu.memory_space<vmem>>, vector<400x128xf32>
    %add3A_24 = arith.addf %add3A_20, %get3A_23 : vector<400x128xf32>
    %broadcast_in_dim3A = vector.shape_cast %rsqrt3A : vector<400xf32> to vector<400x1xf32>
    %mul3A = vector.broadcast %broadcast_in_dim3A : vector<400x1xf32> to vector<400x128xf32>
    %mul3A_25 = arith.mulf %add3A_24, %mul3A : vector<400x128xf32>
    %get3A_26 = arith.constant 0 : index
    %get3A_27 = arith.constant 0 : index
    %get3A_28 = vector.load %arg4[%get3A_26, %get3A_27] : memref<1x128xf32, #tpu.memory_space<vmem>>, vector<1x128xf32>
    %add3A_29 = vector.broadcast %get3A_28 : vector<1x128xf32> to vector<400x128xf32>
    %add3A_30 = arith.addf %mul3A_25, %add3A_29 : vector<400x128xf32>
    %tanh3A = math.tanh %add3A_30 : vector<400x128xf32>
    %swap3A = arith.constant 0 : index
    %swap3A_31 = arith.constant 0 : index
    %swap3A_32 = vector.load %arg5[%swap3A, %swap3A_31] : memref<400x128xf32, #tpu.memory_space<vmem>>, vector<400x128xf32>
    tpu.vector_store %arg5[%swap3A, %swap3A_31], %tanh3A {strides = array<i32>} : memref<400x128xf32, #tpu.memory_space<vmem>>, vector<400x128xf32>,
    %eq3A = arith.constant 0 : i32
    %eq3A_33 = arith.cmpi eq, %arg0, %eq3A : i32
    %convert_element_type3A = arith.extui %eq3A_33 : i1 to i32
    %cond3A = arith.constant 0 : i32
    %cond3A_34 = arith.cmpi ne, %convert_element_type3A, %cond3A : i32
    scf.if %cond3A_34 {
      %broadcast_in_dim3A_55 = arith.constant 0.000000e+00 : f32
      %broadcast_in_dim3A_56 = vector.broadcast %broadcast_in_dim3A_55 : f32 to vector<8x128xf32>
      %swap3A_57 = arith.constant 0 : index
      %swap3A_58 = arith.constant 0 : index
      %swap3A_59 = vector.load %arg6[%swap3A_57, %swap3A_58] : memref<8x128xf32, #tpu.memory_space<vmem>>, vector<8x128xf32>
      tpu.vector_store %arg6[%swap3A_57, %swap3A_58], %broadcast_in_dim3A_56 {strides = array<i32>} : memref<8x128xf32, #tpu.memory_space<vmem>>, vector<8x128xf32>,
    } else {
    }
    %get3A_35 = arith.constant 0 : index
    %get3A_36 = arith.constant 0 : index
    %get3A_37 = vector.load %arg6[%get3A_35, %get3A_36] : memref<8x128xf32, #tpu.memory_space<vmem>>, vector<1x128xf32>
    %reduce_sum3A = arith.constant dense<0.000000e+00> : vector<128xf32>
    %reduce_sum3A_38 = vector.multi_reduction <add>, %tanh3A, %reduce_sum3A [0] : vector<400x128xf32> to vector<128xf32>
    %broadcast_in_dim3A_39 = vector.shape_cast %reduce_sum3A_38 : vector<128xf32> to vector<1x128xf32>
    %add3A_40 = arith.addf %get3A_37, %broadcast_in_dim3A_39 : vector<1x128xf32>
    %swap3A_41 = arith.constant 0 : index
    %swap3A_42 = arith.constant 0 : index
    %swap3A_43 = vector.load %arg6[%swap3A_41, %swap3A_42] : memref<8x128xf32, #tpu.memory_space<vmem>>, vector<1x128xf32>
    tpu.vector_store %arg6[%swap3A_41, %swap3A_42], %add3A_40 {strides = array<i32>} : memref<8x128xf32, #tpu.memory_space<vmem>>, vector<1x128xf32>,
    %get3A_44 = arith.constant 1 : index
    %get3A_45 = arith.constant 0 : index
    %get3A_46 = vector.load %arg6[%get3A_44, %get3A_45] : memref<8x128xf32, #tpu.memory_space<vmem>>, vector<1x128xf32>
    %mul3A_47 = arith.mulf %tanh3A, %tanh3A : vector<400x128xf32>
    %reduce_sum3A_48 = arith.constant dense<0.000000e+00> : vector<128xf32>
    %reduce_sum3A_49 = vector.multi_reduction <add>, %mul3A_47, %reduce_sum3A_48 [0] : vector<400x128xf32> to vector<128xf32>
    %broadcast_in_dim3A_50 = vector.shape_cast %reduce_sum3A_49 : vector<128xf32> to vector<1x128xf32>
    %add3A_51 = arith.addf %get3A_46, %broadcast_in_dim3A_50 : vector<1x128xf32>
    %swap3A_52 = arith.constant 1 : index
    %swap3A_53 = arith.constant 0 : index
    %swap3A_54 = vector.load %arg6[%swap3A_52, %swap3A_53] : memref<8x128xf32, #tpu.memory_space<vmem>>, vector<1x128xf32>
    tpu.vector_store %arg6[%swap3A_52, %swap3A_53], %add3A_51 {strides = array<i32>} : memref<8x128xf32, #tpu.memory_space<vmem>>, vector<1x128xf32>,
    return
  }
  func.func @transform_0(%arg0: i32) -> (i32, i32, i32) {
    %c0_i32 = arith.constant 0 : i32
    %c0_i32_0 = arith.constant 0 : i32
    %c0_i32_1 = arith.constant 0 : i32
    return %c0_i32, %arg0, %c0_i32_0 : i32, i32, i32
  }
  func.func @transform_1(%arg0: i32) -> (i32, i32) {
    %c0_i32 = arith.constant 0 : i32
    %c0_i32_0 = arith.constant 0 : i32
    return %arg0, %c0_i32 : i32, i32
  }
  func.func @transform_2(%arg0: i32) -> (i32, i32) {
    %c0_i32 = arith.constant 0 : i32
    %c0_i32_0 = arith.constant 0 : i32
    return %arg0, %c0_i32 : i32, i32
  }
  func.func @transform_3(%arg0: i32) -> (i32, i32) {
    %c0_i32 = arith.constant 0 : i32
    %c0_i32_0 = arith.constant 0 : i32
    %c0_i32_1 = arith.constant 0 : i32
    return %c0_i32, %c0_i32_0 : i32, i32
  }
  func.func @transform_4(%arg0: i32) -> (i32, i32) {
    %c0_i32 = arith.constant 0 : i32
    %c0_i32_0 = arith.constant 0 : i32
    return %arg0, %c0_i32 : i32, i32
  }
  func.func @transform_5(%arg0: i32) -> (i32, i32) {
    %c0_i32 = arith.constant 0 : i32
    %c0_i32_0 = arith.constant 0 : i32
    %c0_i32_1 = arith.constant 0 : i32
    return %c0_i32, %c0_i32_0 : i32, i32
  }
}

module attributes {stable_mosaic.version = 14 : i64} {
  func.func @_norm_body(%arg0: i32, %arg1: memref<400x128xf32, #tpu.memory_space<vmem>>, %arg2: memref<8x128xf32, #tpu.memory_space<vmem>>, %arg3: memref<1x128xf32, #tpu.memory_space<vmem>>, %arg4: memref<1x128xf32, #tpu.memory_space<vmem>>, %arg5: memref<400x128xf32, #tpu.memory_space<vmem>>) attributes {dimension_semantics = [#tpu.dimension_semantics<arbitrary>], iteration_bounds = array<i64: 25>, scalar_prefetch = 0 : i64, scratch_operands = 0 : i64, tpu.core_type = #tpu.core_type<tc>, window_params = [{transform_indices = @transform_0, window_bounds = array<i64: 400, 128>}, {pipeline_mode = #tpu.pipeline_mode<synchronous>, transform_indices = @transform_1, window_bounds = array<i64: 8, 128>}, {pipeline_mode = #tpu.pipeline_mode<synchronous>, transform_indices = @transform_2, window_bounds = array<i64: 1, 128>}, {pipeline_mode = #tpu.pipeline_mode<synchronous>, transform_indices = @transform_3, window_bounds = array<i64: 1, 128>}, {transform_indices = @transform_4, window_bounds = array<i64: 400, 128>}]} {
    %get3A = arith.constant 0 : index
    %get3A_0 = arith.constant 0 : index
    %get3A_1 = vector.load %arg2[%get3A, %get3A_0] : memref<8x128xf32, #tpu.memory_space<vmem>>, vector<1x128xf32>
    %mul3A = arith.constant 9.99999974E-5 : f32
    %mul3A_2 = vector.broadcast %mul3A : f32 to vector<1x128xf32>
    %mul3A_3 = arith.mulf %get3A_1, %mul3A_2 : vector<1x128xf32>
    %get3A_4 = arith.constant 1 : index
    %get3A_5 = arith.constant 0 : index
    %get3A_6 = vector.load %arg2[%get3A_4, %get3A_5] : memref<8x128xf32, #tpu.memory_space<vmem>>, vector<1x128xf32>
    %mul3A_7 = arith.constant 9.99999974E-5 : f32
    %mul3A_8 = vector.broadcast %mul3A_7 : f32 to vector<1x128xf32>
    %mul3A_9 = arith.mulf %get3A_6, %mul3A_8 : vector<1x128xf32>
    %mul3A_10 = arith.mulf %mul3A_3, %mul3A_3 : vector<1x128xf32>
    %sub3A = arith.subf %mul3A_9, %mul3A_10 : vector<1x128xf32>
    %get3A_11 = arith.constant 0 : index
    %get3A_12 = arith.constant 0 : index
    %get3A_13 = vector.load %arg3[%get3A_11, %get3A_12] : memref<1x128xf32, #tpu.memory_space<vmem>>, vector<1x128xf32>
    %add3A = arith.constant 9.99999974E-6 : f32
    %add3A_14 = vector.broadcast %add3A : f32 to vector<1x128xf32>
    %add3A_15 = arith.addf %sub3A, %add3A_14 : vector<1x128xf32>
    %rsqrt3A = math.rsqrt %add3A_15 : vector<1x128xf32>
    %mul3A_16 = arith.mulf %get3A_13, %rsqrt3A : vector<1x128xf32>
    %get3A_17 = arith.constant 0 : index
    %get3A_18 = arith.constant 0 : index
    %get3A_19 = vector.load %arg1[%get3A_17, %get3A_18] : memref<400x128xf32, #tpu.memory_space<vmem>>, vector<400x128xf32>
    %sub3A_20 = vector.broadcast %mul3A_3 : vector<1x128xf32> to vector<400x128xf32>
    %sub3A_21 = arith.subf %get3A_19, %sub3A_20 : vector<400x128xf32>
    %mul3A_22 = vector.broadcast %mul3A_16 : vector<1x128xf32> to vector<400x128xf32>
    %mul3A_23 = arith.mulf %sub3A_21, %mul3A_22 : vector<400x128xf32>
    %get3A_24 = arith.constant 0 : index
    %get3A_25 = arith.constant 0 : index
    %get3A_26 = vector.load %arg4[%get3A_24, %get3A_25] : memref<1x128xf32, #tpu.memory_space<vmem>>, vector<1x128xf32>
    %add3A_27 = vector.broadcast %get3A_26 : vector<1x128xf32> to vector<400x128xf32>
    %add3A_28 = arith.addf %mul3A_23, %add3A_27 : vector<400x128xf32>
    %swap3A = arith.constant 0 : index
    %swap3A_29 = arith.constant 0 : index
    %swap3A_30 = vector.load %arg5[%swap3A, %swap3A_29] : memref<400x128xf32, #tpu.memory_space<vmem>>, vector<400x128xf32>
    tpu.vector_store %arg5[%swap3A, %swap3A_29], %add3A_28 {strides = array<i32>} : memref<400x128xf32, #tpu.memory_space<vmem>>, vector<400x128xf32>,
    return
  }
  func.func @transform_0(%arg0: i32) -> (i32, i32) {
    %c0_i32 = arith.constant 0 : i32
    %c0_i32_0 = arith.constant 0 : i32
    return %arg0, %c0_i32 : i32, i32
  }
  func.func @transform_1(%arg0: i32) -> (i32, i32) {
    %c0_i32 = arith.constant 0 : i32
    %c0_i32_0 = arith.constant 0 : i32
    %c0_i32_1 = arith.constant 0 : i32
    return %c0_i32, %c0_i32_0 : i32, i32
  }
  func.func @transform_2(%arg0: i32) -> (i32, i32) {
    %c0_i32 = arith.constant 0 : i32
    %c0_i32_0 = arith.constant 0 : i32
    %c0_i32_1 = arith.constant 0 : i32
    return %c0_i32, %c0_i32_0 : i32, i32
  }
  func.func @transform_3(%arg0: i32) -> (i32, i32) {
    %c0_i32 = arith.constant 0 : i32
    %c0_i32_0 = arith.constant 0 : i32
    %c0_i32_1 = arith.constant 0 : i32
    return %c0_i32, %c0_i32_0 : i32, i32
  }
  func.func @transform_4(%arg0: i32) -> (i32, i32) {
    %c0_i32 = arith.constant 0 : i32
    %c0_i32_0 = arith.constant 0 : i32
    return %arg0, %c0_i32 : i32, i32
  }
}

</mosaic_0001>

<sc_bundles>
// kernel: _run.10.cloned.1.call-start
scs
__scs_entry_jumppad:
0x0: {  	(pc) =	sbr.rel $0x88, $3  }
0x1: {  	(tag) =	ssettag $0x0;
	lr =	simm.s32 $0x1  }
0x2: {  	[smem:$0x3F9B] =	sst lr;
	_ =	strace $0xD0000000  }
0x3: {  	_ = 	snop  }
0x4: {  	_ = 	snop  }
0x5: {  	_ = 	snop  }
0x6: {  	_ = 	snop  }
0x7: {  	_ = 	snop  }
__scs_overlays_trampoline_lowered:
0x8: {  	[smem:$0x3FAA] =	sst s0  }
0x9: {  	[smem:$0x3FAB] =	sst s1  }
0xa: {  	[smem:$0x3FAC] =	sst s2  }
0xb: {  	[smem:$0x3FAD] =	sst s3  }
0xc: {  	[smem:$0x3FAE] =	sst s4  }
0xd: {  	[smem:$0x3FAF] =	sst s5  }
0xe: {  	[smem:$0x3FB0] =	sst s6  }
0xf: {  	[smem:$0x3FB1] =	sst s7  }
0x10: {  	[smem:$0x3FB2] =	sst s8  }
0x11: {  	[smem:$0x3FB3] =	sst s9;
	s0 =	simm.s32 @!p0 $0x0  }
0x12: {  	s1 =	sld [smem:$0x3F99];
	s0 =	simm.s32 @p0 $0x1  }
0x13: {  	[smem:$0x3FB4] =	sst s0;
	s0 =	simm.s32 @!p1 $0x0  }
0x14: {  	s2 =	sld [smem:$0x3F98];
	s0 =	simm.s32 @p1 $0x1  }
0x15: {  	[smem:$0x3FB5] =	sst s0;
	s0 =	simm.s32 @!p2 $0x0  }
0x16: {  	s3 =	sld [smem:$0x3FDB];
	s0 =	simm.s32 @p2 $0x1  }
0x17: {  	s4 =	simm.s32 $0x1BF5;
	[smem:$0x3FB7] =	sst s0  }
0x18: {  	s0 =	sld [smem:$0x3F9A];
	_ =	swait.ge [sflag:s4], $0x0  }
0x19: {  	s7 =	sld [smem:$0x3F9B]  }
0x1a: {  	s8 =	sadd.s32 $0xFFFFE003, lr  }
0x1b: {  	s9 =	sadd.s32 $0xFFFFFEF7, lr;
	s5 =	simm.s32 $0xFFFFFFFF;
	p2 =	slt.u32 s8, $0xFFFFF086  }
0x1c: {  	p1 =	slt.u32 s9, $0xF7A;
	s5 =	simm.s32 @!p2 $0x0  }
0x1d: {  	s5 =	simm.s32 @p1 $0x1;
	p0 =	seq.s32 s7, s2  }
0x1e: {  	s7 =	smul.u32 @!p0 $0xF7A, s2;
	p2 =	seq.s32 @!p0 s5, $0x0  }
0x1f: {  	s9 =	smul.u32 $0xF7A, s1;
	s8 =	simm.s32 @!p0 $0x1BF5;
	p2 =	por !p2, p0  }
0x20: {  	[sflag:s8] =	ssyncset.s32 @!p0 $0xFFFFF086;
	s6 =	sadd.s32 @!p0 s3, s7;
	s7 =	simm.s32 @!p0 $0x108  }
0x21: {  	s3 =	sadd.s32 s3, s9;
	s6 =	sadd.s32 @!p0 $0x88, s6;
	s7 =	simm.s32 @p2 $0x1082  }
0x22: {  	[simem:s7], [sflag:s8] =	dma.local @!p0 [hbm:s6], $0xF7A  }
0x23: {  	s9 =	sor.u32 $0xD0000000, s2;
	s6 =	simm.s32 $0x108;
	_ =	swait.ge @!p0 [sflag:s8], $0x0  }
0x24: {  	s3 =	sadd.s32 $0x88, s3;
	s6 =	simm.s32 @!p1 $0x1082;
	[sflag:s4] =	ssyncset.s32 $0xFFFFF086  }
0x25: {  	[simem:s6], [sflag:s4] =	dma.local [hbm:s3], $0xF7A  }
0x26: {  	[smem:$0x3F9B] =	sst s1;
	(tag) =	ssettag s2;
	_ =	strace s9  }
0x27: {  	s1 =	sld [smem:$0x3FAB]  }
0x28: {  	s2 =	sld [smem:$0x3FAC]  }
0x29: {  	s4 =	sld [smem:$0x3FAE]  }
0x2a: {  	p0 =	seq.s32 s5, $0x0;
	s5 =	sld [smem:$0x3FAF]  }
0x2b: {  	s6 =	sld [smem:$0x3FB0]  }
0x2c: {  	s7 =	sld [smem:$0x3FB1]  }
0x2d: {  	s3 =	simm.s32 $0x108;
	s8 =	sld [smem:$0x3FB2]  }
0x2e: {  	s3 =	simm.s32 @!p0 $0x1082;
	s9 =	sld [smem:$0x3FB3]  }
0x2f: {  	lr =	sadd.s32 s0, s3;
	s0 =	sld [smem:$0x3FAA]  }
0x30: {  	s3 =	sld [smem:$0x3FAD]  }
0x31: {  	[smem:$0x3FB6] =	sst s10  }
0x32: {  	s10 =	sld [smem:$0x3FB4];
	_ =	sdelay $0x3  }
0x33: {  	p0 =	seq.s32 s10, $0x1;
	s10 =	sld [smem:$0x3FB6];
	_ =	sdelay $0x3  }
0x34: {  	[smem:$0x3FB6] =	sst s10  }
0x35: {  	s10 =	sld [smem:$0x3FB5];
	_ =	sdelay $0x3  }
0x36: {  	p1 =	seq.s32 s10, $0x1;
	s10 =	sld [smem:$0x3FB6];
	_ =	sdelay $0x3  }
0x37: {  	[smem:$0x3FB6] =	sst s10  }
0x38: {  	s10 =	sld [smem:$0x3FB7]  }
0x39: {  	_ = 	snop;
	(pc) =	sbr.ind lr, $3  }
0x3a: {  	_ = 	snop  }
0x3b: {  	_ = 	snop  }
0x3c: {  	p2 =	seq.s32 s10, $0x1;
	s10 =	sld [smem:$0x3FB6]  }
0x3d: {  	_ =	shalt  }
0x3e: {  	_ =	shalt  }
0x3f: {  	_ =	shalt  }
0x40: {  	_ =	shalt  }
0x41: {  	_ =	shalt  }
0x42: {  	_ =	shalt  }
0x43: {  	_ =	shalt  }
0x44: {  	_ =	shalt  }
0x45: {  	_ =	shalt  }
0x46: {  	_ =	shalt  }
0x47: {  	_ =	shalt  }
0x48: {  	_ =	shalt  }
0x49: {  	_ =	shalt  }
0x4a: {  	_ =	shalt  }
0x4b: {  	_ =	shalt  }
0x4c: {  	_ =	shalt  }
0x4d: {  	_ =	shalt  }
0x4e: {  	_ =	shalt  }
0x4f: {  	_ =	shalt  }
0x50: {  	_ =	shalt  }
0x51: {  	_ =	shalt  }
0x52: {  	_ =	shalt  }
0x53: {  	_ =	shalt  }
0x54: {  	_ =	shalt  }
0x55: {  	_ =	shalt  }
0x56: {  	_ =	shalt  }
0x57: {  	_ =	shalt  }
0x58: {  	_ =	shalt  }
0x59: {  	_ =	shalt  }
0x5a: {  	_ =	shalt  }
0x5b: {  	_ =	shalt  }
0x5c: {  	_ =	shalt  }
0x5d: {  	_ =	shalt  }
0x5e: {  	_ =	shalt  }
0x5f: {  	_ =	shalt  }
0x60: {  	_ =	shalt  }
0x61: {  	_ =	shalt  }
0x62: {  	_ =	shalt  }
0x63: {  	_ =	shalt  }
0x64: {  	_ =	shalt  }
0x65: {  	_ =	shalt  }
0x66: {  	_ =	shalt  }
0x67: {  	_ =	shalt  }
0x68: {  	_ =	shalt  }
0x69: {  	_ =	shalt  }
0x6a: {  	_ =	shalt  }
0x6b: {  	_ =	shalt  }
0x6c: {  	_ =	shalt  }
0x6d: {  	_ =	shalt  }
0x6e: {  	_ =	shalt  }
0x6f: {  	_ =	shalt  }
0x70: {  	_ =	shalt  }
0x71: {  	_ =	shalt  }
0x72: {  	_ =	shalt  }
0x73: {  	_ =	shalt  }
0x74: {  	_ =	shalt  }
0x75: {  	_ =	shalt  }
0x76: {  	_ =	shalt  }
0x77: {  	_ =	shalt  }
0x78: {  	_ =	shalt  }
0x79: {  	_ =	shalt  }
0x7a: {  	_ =	shalt  }
0x7b: {  	_ =	shalt  }
0x7c: {  	_ =	shalt  }
0x7d: {  	_ =	shalt  }
0x7e: {  	_ =	shalt  }
0x7f: {  	_ =	shalt  }
0x80: {  	_ =	shalt  }
0x81: {  	_ =	shalt  }
0x82: {  	_ =	shalt  }
0x83: {  	_ =	shalt  }
0x84: {  	_ =	shalt  }
0x85: {  	_ =	shalt  }
0x86: {  	_ =	shalt  }
0x87: {  	_ =	shalt  }
.Lfunc_end0:
.L_simem_size_0:
called_computation.1_lowered:
.L_overlay_start_0:
0x88: {  	s2 =	sld [smem:$0x3FD9]  }
0x89: {  	s3 =	sld [smem:$0x3FFE];
	_ =	sdelay $0x1  }
0x8a: {  	s1 =	srdreg.scid  }
0x8b: {  	s0 =	sand.u32 $0x1, s1  }
0x8c: {  	s17 =	sshll.u32 s0, $0xA;
	s2 =	sadd.s32 s3, s2  }
0x8d: {  	s2 =	sadd.s32 s2, s17  }
0x8e: {  	[smem:$0x3FC2] =	sst s2  }
0x8f: {  	_ = 	snop  }
0x90: {  	s2 =	sld [smem:$0x3FD0];
	(tm) =	ssettm $0x1  }
0x91: {  	s18 =	sld [smem:$0x3FFB];
	_ =	sdelay $0x3  }
0x92: {  	_ =	strace s18  }
0x93: {  	s3 =	sld [smem:$0x3FFC];
	_ =	sdelay $0x3  }
0x94: {  	_ =	strace s3  }
0x95: {  	s3 =	sld [smem:$0x3FFD];
	_ =	sdelay $0x3  }
0x96: {  	_ =	strace s3  }
0x97: {  	_ =	strace $0x8FFFFFFF  }
0x98: {  	s19 =	sld [smem:$0x3FDB];
	_ =	sdelay $0x1  }
0x99: {  	s4 =	simm.s32 $_scs_section_size  }
0x9a: {  	s5 =	simm.s32 $_size__tile_overlayer_lowered;
	s6 =	simm.s32 $_tile_overlayer_lowered  }
0x9b: {  	s22 =	simm.s32 $0x1BFF;
	s21 =	sshll.u32 s6, $0x1;
	s3 =	sadd.s32 s4, s19  }
0x9c: {  	s7 =	simm.s32 $0x0;
	s20 =	sshll.u32 s5, $0x1;
	s5 =	sadd.s32 s21, s3  }
0x9d: {  	[timem:s7], [sflag:s22] =	dma.local [hbm:s5], s20  }
0x9e: {  	_ =	swait.ge [sflag:s22], s20  }
0x9f: {  	s4 =	ssub.s32 $0x0, s20;
	[sflag:s22] =	ssyncset.done $0x0  }
0xa0: {  	[sflag:s22] =	ssyncadd.s32 s4;
	_ =	sdelay $0x1  }
0xa1: {  	s23 =	simm.s32 $0x1B8B  }
0xa2: {  	_ =	swait.ge [sflag:s23], $0x1  }
0xa3: {  	[sflag:s23] =	ssyncset.done $0x0  }
0xa4: {  	s25 =	simm.s32 $0x1B8E;
	s24 =	sld [smem:$0x3FFE];
	[sflag:s23] =	ssyncadd.s32 $0xFFFFFFFF  }
0xa5: {  	s26 =	simm.s32 $execute0_lowered;
	[smem:$0x3FD2] =	sst s25  }
0xa6: {  	s5 =	sshll.u32 s26, $0x1;
	_ =	strace $0x80000049;
	[dreg:$0x1] =	wrdreg $0xFFFFFFFF  }
0xa7: {  	s28 =	simm.s32 $_size_execute0_lowered;
	s3 =	sadd.s32 s3, s5;
	[dreg:$0x0] =	wrdreg $0x0  }
0xa8: {  	s5 =	sshll.u32 s28, $0x1;
	[dreg:$0x2] =	wrdreg s3  }
0xa9: {  	[dreg:$0x3] =	wrdreg s5  }
0xaa: {  	[dreg:$0x4] =	wrdreg $0xC0  }
0xab: {  	_ =	task [dreg:s7], $0x5FFFF  }
0xac: {  	[dreg:$0x1] =	wrdreg $0xFFFFFFFF  }
0xad: {  	[dreg:$0x0] =	wrdreg $0x60  }
0xae: {  	[dreg:$0x2] =	wrdreg s24  }
0xaf: {  	[dreg:$0x3] =	wrdreg s2  }
0xb0: {  	[dreg:$0x4] =	wrdreg $0x90000  }
0xb1: {  	[dreg:$0x5] =	wrdreg $0x9  }
0xb2: {  	_ =	task.clear_ibuf [dreg:s7], $0x6FFFF;
	_ =	strace $0x90000049  }
0xb3: {  	s29 =	simm.s32 $0x9;
	_ =	strace $0x8000004B  }
0xb4: {  	_ =	swait.ge [sflag:s29], $0x1  }
0xb5: {  	[sflag:s29] =	ssyncadd.s32 $0xFFFFFFFF  }
0xb6: {  	_ =	strace $0x9000004B  }
0xb7: {  	_ =	sfence  }
0xb8: {  	s30 =	sld [smem:$0x0];
	_ =	sdelay $0x2  }
0xb9: {  	s31 =	sshll.u32 s1, $0xD;
	s1 =	sshrl.u32 s1, $0x2  }
0xba: {  	s3 =	sand.u32 $0x4000, s31;
	s1 =	sadd.s32 s1, s30  }
0xbb: {  	s0 =	sor.u32 s3, s0;
	s1 =	sshll.u32 s1, $0x11  }
0xbc: {  	s0 =	sor.u32 s1, s0  }
0xbd: {  	s0 =	sadd.s32 $0x8F2B, s0  }
0xbe: {  	[sflag:s0] =	ssyncadd.remote.s32 $0x1  }
0xbf: {  	_ =	sfence.sel $0xFFFF  }
0xc0: {  	[dreg:$0x0] =	wrdreg $0xFFFFFFFF;
	(pc) =	sbr.abs _section_cstart, $3  }
0xc1: {  	[dreg:$0x1] =	wrdreg $0xFFFFFFFF  }
0xc2: {  	_ =	task.clear_ibuf [dreg:s7], $0x2FFFF;
	_ =	strace $0x9FFFFFFF  }
0xc3: {  	(tm) =	ssettm $0x7FFFFFFF  }
tec
execute0_lowered:
.L_overlay_start_1:
0x0: {  	(tag) =	ssettag $0x1  }
0x1: {  	s6 =	rddreg [dreg:$0x0]  }
0x2: {  	s0 =	srdreg.scid;
	s2 =	rddreg [dreg:$0x1]  }
0x3: {  	s3 =	rddreg [dreg:$0x2];
	s1 =	stileid.u32  }
0x4: {  	s4 =	simm.s32 $0x0;
	s13 =	simm.s32 $0x80;
	s14 =	simm.s32 $0x5000  }
0x5: {  	s15 =	simm.s32 $0x1;
	s5 =	sand.u32 $0x1, s0;
	s0 =	rddreg [dreg:$0x3]  }
0x6: {  	[smem:$0x7FF] =	sst s4;
	s10 =	smul.u32 $0x50000, s1;
	s31 =	sshll.u32 s1, $0x6  }
0x7: {  	s17 =	smul.u32 $0x2800, s1;
	s7 =	sshll.u32 s5, $0x4;
	_ =	strace $0x8000004A  }
0x8: {  	s8 =	smul.u32 $0x28000, s5;
	s28 =	ssub.s32 $0x2, s5;
	s5 =	sadd.s32 $0x15C00, s6  }
0x9: {  	s7 =	sor.u32 s1, s7;
	s29 =	sshrl.u32 s28, $0x1;
	s30 =	sshrl.u32 s10, $0x2  }
0xa: {  	s7 =	smul.u32 $0x500, s7;
	s11 =	sadd.s32 s8, s6;
	s10 =	sadd.s32 s30, s3  }
0xb: {  	s12 =	ssub.s32 s28, s29;
	s16 =	sadd.s32 $0x18400, s11;
	s10 =	sshrl.u32 s10, $0x3  }
0xc: {  	s11 =	simm.s32 $0x2;
	s9 =	sadd.s32 s7, s6;
	s6 =	sor.u32 $0x1C02, s31  }
0xd: {  	s16 =	sadd.s32 s17, s16;
	s17 =	simm.s32 $0x0;
	s7 =	sadd.s32 $0xBC00, s9  }
0xe: {  	s8 =	sadd.s32 $0x1C00, s9;
	s9 =	smax.u32 s12, $0x1;
	s12 =	simm.s32 $0x2800  }
.LBB2_1:
0xf: {  	[spmem:s10], [sflag:s6] =	dma.local [hbm:s5], $0x2800  }
0x10: {  	_ =	swait.ge [sflag:s11], $0x2800  }
0x11: {  	[sflag:s11] =	ssyncset.done $0x0  }
0x12: {  	[sflag:s11] =	ssyncadd.s32 $0xFFFFD800  }
0x13: {  	[tilespmem:s4], [sflag:$0x2] =	stream.linear.gather [hbm4b:s7+s4], $0x2780, $0x38;
	[tilespmem:$0x1D000] =	vst v63  }
0x14: {  	_ =	swait.ge [sflag:s11], $0x2780  }
0x15: {  	[sflag:s11] =	ssyncset.done $0x0  }
0x16: {  	[sflag:s11] =	ssyncadd.s32 $0xFFFFD880  }
0x17: {  	[tilespmem:s12], [sflag:$0x2] =	stream.linear.gather [hbm4b:s8+s4], $0x2780, $0x38;
	[tilespmem:$0x1D000] =	vst v63  }
0x18: {  	_ =	swait.ge [sflag:s11], $0x2780  }
0x19: {  	[sflag:s11] =	ssyncset.done $0x0  }
0x1a: {  	[sflag:s11] =	ssyncadd.s32 $0xFFFFD880  }
0x1b: {  	s18 =	simm.s32 $0x0;
	[bflag:$0x0] =	sbarrier.arrive $0xFFFF  }
0x1c: {  	[tilespmem:s14], [sflag:$0x1] =	stream.indirect.gather [hbm4b:s2+s13], $0x80, s18, s13, $0xb8;
	[tilespmem:$0x1D000] =	vst v63  }
0x1d: {  	_ =	swait.ge [sflag:s15], $0x4000  }
0x1e: {  	[sflag:s15] =	ssyncset.done $0x0  }
0x1f: {  	s31 =	simm.s32 $0x2800;
	[sflag:s15] =	ssyncadd.s32 $0xFFFFC000  }
0x20: {  	[spmem:s3] =	stream.indirect.scatter.add.f32 [tilespmem:s14], [sflag:$0x2], $0x80, s31, s13, $0xb8;
	[tilespmem:$0x1D000] =	vst v63  }
0x21: {  	_ =	swait.ge [sflag:s11], $0x4000  }
0x22: {  	s19 =	simm.s32 $0x400;
	s18 =	simm.s32 $0x200;
	[sflag:s11] =	ssyncset.done $0x0  }
.LBB2_2:
0x23: {  	s20 =	sshra.s32 s18, $0x2  }
0x24: {  	[sflag:s11] =	ssyncadd.s32 $0xFFFFC000;
	s18 =	smov.u32 s19;
	s21 =	sadd.s32 $0x200, s19  }
0x25: {  	[tilespmem:s14], [sflag:$0x1] =	stream.indirect.gather [hbm4b:s2+s13], $0x80, s20, s13, $0xb8;
	[tilespmem:$0x1D000] =	vst v63  }
0x26: {  	p0 =	sne.s32 s19, $0x9C00;
	_ =	swait.ge [sflag:s15], $0x4000  }
.Ltmp0:
0x27: {  	[sflag:s15] =	ssyncset.done $0x0;
	(pc) =	sbr.rel @p0 .LBB2_2-.Ltmp0, $4  }
0x28: {  	s19 =	sadd.s32 $0x2800, s20;
	[sflag:s15] =	ssyncadd.s32 $0xFFFFC000  }
0x29: {  	[spmem:s3] =	stream.indirect.scatter.add.f32 [tilespmem:s14], [sflag:$0x2], $0x80, s19, s13, $0xb8;
	[tilespmem:$0x1D000] =	vst v63  }
0x2a: {  	_ =	swait.ge [sflag:s11], $0x4000  }
0x2b: {  	s19 =	smov.u32 s21;
	[sflag:s11] =	ssyncset.done $0x0  }
0x2c: {  	s18 =	sshra.s32 s18, $0x2;
	[sflag:s11] =	ssyncadd.s32 $0xFFFFC000  }
0x2d: {  	[tilespmem:s14], [sflag:$0x1] =	stream.indirect.gather [hbm4b:s2+s13], $0x80, s18, s13, $0xb8;
	[tilespmem:$0x1D000] =	vst v63  }
0x2e: {  	_ =	swait.ge [sflag:s15], $0x4000  }
0x2f: {  	[sflag:s15] =	ssyncset.done $0x0  }
0x30: {  	s18 =	sadd.s32 $0x2800, s18;
	[sflag:s15] =	ssyncadd.s32 $0xFFFFC000  }
0x31: {  	[spmem:s3] =	stream.indirect.scatter.add.f32 [tilespmem:s14], [sflag:$0x2], $0x80, s18, s13, $0xb8;
	[tilespmem:$0x1D000] =	vst v63  }
0x32: {  	_ =	swait.ge [sflag:s11], $0x4000  }
0x33: {  	s17 =	sadd.s32 $0x1, s17;
	[sflag:s11] =	ssyncset.done $0x0  }
0x34: {  	p0 =	sne.s32 s17, s9;
	[sflag:s11] =	ssyncadd.s32 $0xFFFFC000  }
.Ltmp1:
0x35: {  	[bflag:$0x0] =	sbarrier.arrive $0xFFFF;
	(pc) =	sbr.rel @p0 .LBB2_1-.Ltmp1, $4  }
0x36: {  	[hbm:s16], [sflag:s6] =	dma.local [spmem:s10], $0x2800  }
0x37: {  	_ =	swait.ge [sflag:s11], $0x2800  }
0x38: {  	[sflag:s11] =	ssyncset.done $0x0  }
0x39: {  	[sflag:s11] =	ssyncadd.s32 $0xFFFFD800  }
0x3a: {  	_ =	sfence.sel $0x180000  }
0x3b: {  	[bflag:$0x0] =	sbarrier.arrive $0xFFFF  }
0x3c: {  	p0 =	sne.s32 s1, $0x0;
	_ =	strace $0x9000004A  }
0x3d: {  	s0 =	sadd.s32 @!p0 $0x100000, s0;
	[bflag:$0x2] =	sbarrier.arrive $0xFFFF  }
0x3e: {  	[sflag:s0] =	ssyncadd.tile.s32 @!p0 $0x1;
	_ =	shalt  }
.Lfunc_end2:
_tile_overlayer_lowered:
.L_overlay_start_2:
0x3f: {  	(tag) =	ssettag $0x2  }
0x40: {  	s0 =	rddreg [dreg:$0x0];
	s2 =	stileid.u32  }
0x41: {  	s1 =	rddreg [dreg:$0x1];
	p0 =	sne.s32 s2, $0x0  }
0x42: {  	s3 =	rddreg [dreg:$0x2];
	[bflag:$0x3] =	sbarrier.arrive $0xFFFF;
	s2 =	simm.s32 @!p0 $0x1C02  }
0x43: {  	[timem:s3], [sflag:s2] =	dma.local @!p0 [hbm:s0], s1  }
0x44: {  	s0 =	simm.s32 @!p0 $0x2  }
0x45: {  	_ =	swait.ge @!p0 [sflag:s0], s1  }
0x46: {  	s1 =	ssub.s32 @!p0 $0x0, s1;
	[sflag:s0] =	ssyncset.done @!p0 $0x0  }
0x47: {  	[sflag:s0] =	ssyncadd.s32 @!p0 s1  }
0x48: {  	[bflag:$0x3] =	sbarrier.arrive $0xFFFF  }
0x49: {  	_ =	shalt  }

// kernel: _run.7.cloned.1.call-start
scs
__scs_entry_jumppad:
0x0: {  	(pc) =	sbr.rel $0x88, $3  }
0x1: {  	(tag) =	ssettag $0x0;
	lr =	simm.s32 $0x1  }
0x2: {  	[smem:$0x3F9B] =	sst lr;
	_ =	strace $0xD0000000  }
0x3: {  	_ = 	snop  }
0x4: {  	_ = 	snop  }
0x5: {  	_ = 	snop  }
0x6: {  	_ = 	snop  }
0x7: {  	_ = 	snop  }
__scs_overlays_trampoline_lowered:
0x8: {  	[smem:$0x3FAA] =	sst s0  }
0x9: {  	[smem:$0x3FAB] =	sst s1  }
0xa: {  	[smem:$0x3FAC] =	sst s2  }
0xb: {  	[smem:$0x3FAD] =	sst s3  }
0xc: {  	[smem:$0x3FAE] =	sst s4  }
0xd: {  	[smem:$0x3FAF] =	sst s5  }
0xe: {  	[smem:$0x3FB0] =	sst s6  }
0xf: {  	[smem:$0x3FB1] =	sst s7  }
0x10: {  	[smem:$0x3FB2] =	sst s8  }
0x11: {  	[smem:$0x3FB3] =	sst s9;
	s0 =	simm.s32 @!p0 $0x0  }
0x12: {  	s1 =	sld [smem:$0x3F99];
	s0 =	simm.s32 @p0 $0x1  }
0x13: {  	[smem:$0x3FB4] =	sst s0;
	s0 =	simm.s32 @!p1 $0x0  }
0x14: {  	s2 =	sld [smem:$0x3F98];
	s0 =	simm.s32 @p1 $0x1  }
0x15: {  	[smem:$0x3FB5] =	sst s0;
	s0 =	simm.s32 @!p2 $0x0  }
0x16: {  	s3 =	sld [smem:$0x3FDB];
	s0 =	simm.s32 @p2 $0x1  }
0x17: {  	s4 =	simm.s32 $0x1BF5;
	[smem:$0x3FB7] =	sst s0  }
0x18: {  	s0 =	sld [smem:$0x3F9A];
	_ =	swait.ge [sflag:s4], $0x0  }
0x19: {  	s7 =	sld [smem:$0x3F9B]  }
0x1a: {  	s8 =	sadd.s32 $0xFFFFE003, lr  }
0x1b: {  	s9 =	sadd.s32 $0xFFFFFEF7, lr;
	s5 =	simm.s32 $0xFFFFFFFF;
	p2 =	slt.u32 s8, $0xFFFFF086  }
0x1c: {  	p1 =	slt.u32 s9, $0xF7A;
	s5 =	simm.s32 @!p2 $0x0  }
0x1d: {  	s5 =	simm.s32 @p1 $0x1;
	p0 =	seq.s32 s7, s2  }
0x1e: {  	s7 =	smul.u32 @!p0 $0xF7A, s2;
	p2 =	seq.s32 @!p0 s5, $0x0  }
0x1f: {  	s9 =	smul.u32 $0xF7A, s1;
	s8 =	simm.s32 @!p0 $0x1BF5;
	p2 =	por !p2, p0  }
0x20: {  	[sflag:s8] =	ssyncset.s32 @!p0 $0xFFFFF086;
	s6 =	sadd.s32 @!p0 s3, s7;
	s7 =	simm.s32 @!p0 $0x108  }
0x21: {  	s3 =	sadd.s32 s3, s9;
	s6 =	sadd.s32 @!p0 $0x88, s6;
	s7 =	simm.s32 @p2 $0x1082  }
0x22: {  	[simem:s7], [sflag:s8] =	dma.local @!p0 [hbm:s6], $0xF7A  }
0x23: {  	s9 =	sor.u32 $0xD0000000, s2;
	s6 =	simm.s32 $0x108;
	_ =	swait.ge @!p0 [sflag:s8], $0x0  }
0x24: {  	s3 =	sadd.s32 $0x88, s3;
	s6 =	simm.s32 @!p1 $0x1082;
	[sflag:s4] =	ssyncset.s32 $0xFFFFF086  }
0x25: {  	[simem:s6], [sflag:s4] =	dma.local [hbm:s3], $0xF7A  }
0x26: {  	[smem:$0x3F9B] =	sst s1;
	(tag) =	ssettag s2;
	_ =	strace s9  }
0x27: {  	s1 =	sld [smem:$0x3FAB]  }
0x28: {  	s2 =	sld [smem:$0x3FAC]  }
0x29: {  	s4 =	sld [smem:$0x3FAE]  }
0x2a: {  	p0 =	seq.s32 s5, $0x0;
	s5 =	sld [smem:$0x3FAF]  }
0x2b: {  	s6 =	sld [smem:$0x3FB0]  }
0x2c: {  	s7 =	sld [smem:$0x3FB1]  }
0x2d: {  	s3 =	simm.s32 $0x108;
	s8 =	sld [smem:$0x3FB2]  }
0x2e: {  	s3 =	simm.s32 @!p0 $0x1082;
	s9 =	sld [smem:$0x3FB3]  }
0x2f: {  	lr =	sadd.s32 s0, s3;
	s0 =	sld [smem:$0x3FAA]  }
0x30: {  	s3 =	sld [smem:$0x3FAD]  }
0x31: {  	[smem:$0x3FB6] =	sst s10  }
0x32: {  	s10 =	sld [smem:$0x3FB4];
	_ =	sdelay $0x3  }
0x33: {  	p0 =	seq.s32 s10, $0x1;
	s10 =	sld [smem:$0x3FB6];
	_ =	sdelay $0x3  }
0x34: {  	[smem:$0x3FB6] =	sst s10  }
0x35: {  	s10 =	sld [smem:$0x3FB5];
	_ =	sdelay $0x3  }
0x36: {  	p1 =	seq.s32 s10, $0x1;
	s10 =	sld [smem:$0x3FB6];
	_ =	sdelay $0x3  }
0x37: {  	[smem:$0x3FB6] =	sst s10  }
0x38: {  	s10 =	sld [smem:$0x3FB7]  }
0x39: {  	_ = 	snop;
	(pc) =	sbr.ind lr, $3  }
0x3a: {  	_ = 	snop  }
0x3b: {  	_ = 	snop  }
0x3c: {  	p2 =	seq.s32 s10, $0x1;
	s10 =	sld [smem:$0x3FB6]  }
0x3d: {  	_ =	shalt  }
0x3e: {  	_ =	shalt  }
0x3f: {  	_ =	shalt  }
0x40: {  	_ =	shalt  }
0x41: {  	_ =	shalt  }
0x42: {  	_ =	shalt  }
0x43: {  	_ =	shalt  }
0x44: {  	_ =	shalt  }
0x45: {  	_ =	shalt  }
0x46: {  	_ =	shalt  }
0x47: {  	_ =	shalt  }
0x48: {  	_ =	shalt  }
0x49: {  	_ =	shalt  }
0x4a: {  	_ =	shalt  }
0x4b: {  	_ =	shalt  }
0x4c: {  	_ =	shalt  }
0x4d: {  	_ =	shalt  }
0x4e: {  	_ =	shalt  }
0x4f: {  	_ =	shalt  }
0x50: {  	_ =	shalt  }
0x51: {  	_ =	shalt  }
0x52: {  	_ =	shalt  }
0x53: {  	_ =	shalt  }
0x54: {  	_ =	shalt  }
0x55: {  	_ =	shalt  }
0x56: {  	_ =	shalt  }
0x57: {  	_ =	shalt  }
0x58: {  	_ =	shalt  }
0x59: {  	_ =	shalt  }
0x5a: {  	_ =	shalt  }
0x5b: {  	_ =	shalt  }
0x5c: {  	_ =	shalt  }
0x5d: {  	_ =	shalt  }
0x5e: {  	_ =	shalt  }
0x5f: {  	_ =	shalt  }
0x60: {  	_ =	shalt  }
0x61: {  	_ =	shalt  }
0x62: {  	_ =	shalt  }
0x63: {  	_ =	shalt  }
0x64: {  	_ =	shalt  }
0x65: {  	_ =	shalt  }
0x66: {  	_ =	shalt  }
0x67: {  	_ =	shalt  }
0x68: {  	_ =	shalt  }
0x69: {  	_ =	shalt  }
0x6a: {  	_ =	shalt  }
0x6b: {  	_ =	shalt  }
0x6c: {  	_ =	shalt  }
0x6d: {  	_ =	shalt  }
0x6e: {  	_ =	shalt  }
0x6f: {  	_ =	shalt  }
0x70: {  	_ =	shalt  }
0x71: {  	_ =	shalt  }
0x72: {  	_ =	shalt  }
0x73: {  	_ =	shalt  }
0x74: {  	_ =	shalt  }
0x75: {  	_ =	shalt  }
0x76: {  	_ =	shalt  }
0x77: {  	_ =	shalt  }
0x78: {  	_ =	shalt  }
0x79: {  	_ =	shalt  }
0x7a: {  	_ =	shalt  }
0x7b: {  	_ =	shalt  }
0x7c: {  	_ =	shalt  }
0x7d: {  	_ =	shalt  }
0x7e: {  	_ =	shalt  }
0x7f: {  	_ =	shalt  }
0x80: {  	_ =	shalt  }
0x81: {  	_ =	shalt  }
0x82: {  	_ =	shalt  }
0x83: {  	_ =	shalt  }
0x84: {  	_ =	shalt  }
0x85: {  	_ =	shalt  }
0x86: {  	_ =	shalt  }
0x87: {  	_ =	shalt  }
.Lfunc_end0:
.L_simem_size_0:
called_computation_lowered:
.L_overlay_start_0:
0x88: {  	s2 =	sld [smem:$0x3FD9]  }
0x89: {  	s3 =	sld [smem:$0x3FFE];
	_ =	sdelay $0x1  }
0x8a: {  	s1 =	srdreg.scid  }
0x8b: {  	s0 =	sand.u32 $0x1, s1  }
0x8c: {  	s17 =	sshll.u32 s0, $0xA;
	s2 =	sadd.s32 s3, s2  }
0x8d: {  	s2 =	sadd.s32 s2, s17  }
0x8e: {  	[smem:$0x3FC2] =	sst s2  }
0x8f: {  	_ = 	snop  }
0x90: {  	s2 =	sld [smem:$0x3FD0];
	(tm) =	ssettm $0x1  }
0x91: {  	s18 =	sld [smem:$0x3FFB];
	_ =	sdelay $0x3  }
0x92: {  	_ =	strace s18  }
0x93: {  	s3 =	sld [smem:$0x3FFC];
	_ =	sdelay $0x3  }
0x94: {  	_ =	strace s3  }
0x95: {  	s3 =	sld [smem:$0x3FFD];
	_ =	sdelay $0x3  }
0x96: {  	_ =	strace s3  }
0x97: {  	_ =	strace $0x8FFFFFFF  }
0x98: {  	s19 =	sld [smem:$0x3FDB];
	_ =	sdelay $0x1  }
0x99: {  	s4 =	simm.s32 $_scs_section_size  }
0x9a: {  	s5 =	simm.s32 $_size__tile_overlayer_lowered;
	s6 =	simm.s32 $_tile_overlayer_lowered  }
0x9b: {  	s22 =	simm.s32 $0x1BFF;
	s21 =	sshll.u32 s6, $0x1;
	s3 =	sadd.s32 s4, s19  }
0x9c: {  	s7 =	simm.s32 $0x0;
	s20 =	sshll.u32 s5, $0x1;
	s5 =	sadd.s32 s21, s3  }
0x9d: {  	[timem:s7], [sflag:s22] =	dma.local [hbm:s5], s20  }
0x9e: {  	_ =	swait.ge [sflag:s22], s20  }
0x9f: {  	s4 =	ssub.s32 $0x0, s20;
	[sflag:s22] =	ssyncset.done $0x0  }
0xa0: {  	[sflag:s22] =	ssyncadd.s32 s4;
	_ =	sdelay $0x1  }
0xa1: {  	s23 =	simm.s32 $0x1B8B  }
0xa2: {  	_ =	swait.ge [sflag:s23], $0x1  }
0xa3: {  	[sflag:s23] =	ssyncset.done $0x0  }
0xa4: {  	s25 =	simm.s32 $0x1B8E;
	s24 =	sld [smem:$0x3FFE];
	[sflag:s23] =	ssyncadd.s32 $0xFFFFFFFF  }
0xa5: {  	s26 =	simm.s32 $execute0_lowered;
	[smem:$0x3FD2] =	sst s25  }
0xa6: {  	s5 =	sshll.u32 s26, $0x1;
	_ =	strace $0x80000046;
	[dreg:$0x1] =	wrdreg $0xFFFFFFFF  }
0xa7: {  	s28 =	simm.s32 $_size_execute0_lowered;
	s3 =	sadd.s32 s3, s5;
	[dreg:$0x0] =	wrdreg $0x0  }
0xa8: {  	s5 =	sshll.u32 s28, $0x1;
	[dreg:$0x2] =	wrdreg s3  }
0xa9: {  	[dreg:$0x3] =	wrdreg s5  }
0xaa: {  	[dreg:$0x4] =	wrdreg $0xC0  }
0xab: {  	_ =	task [dreg:s7], $0x5FFFF  }
0xac: {  	[dreg:$0x1] =	wrdreg $0xFFFFFFFF  }
0xad: {  	[dreg:$0x0] =	wrdreg $0x60  }
0xae: {  	[dreg:$0x2] =	wrdreg s24  }
0xaf: {  	[dreg:$0x3] =	wrdreg s2  }
0xb0: {  	[dreg:$0x4] =	wrdreg $0x2B000  }
0xb1: {  	[dreg:$0x5] =	wrdreg $0x9  }
0xb2: {  	_ =	task.clear_ibuf [dreg:s7], $0x6FFFF;
	_ =	strace $0x90000046  }
0xb3: {  	s29 =	simm.s32 $0x9;
	_ =	strace $0x80000048  }
0xb4: {  	_ =	swait.ge [sflag:s29], $0x1  }
0xb5: {  	[sflag:s29] =	ssyncadd.s32 $0xFFFFFFFF  }
0xb6: {  	_ =	strace $0x90000048  }
0xb7: {  	_ =	sfence  }
0xb8: {  	s30 =	sld [smem:$0x0];
	_ =	sdelay $0x2  }
0xb9: {  	s31 =	sshll.u32 s1, $0xD;
	s1 =	sshrl.u32 s1, $0x2  }
0xba: {  	s3 =	sand.u32 $0x4000, s31;
	s1 =	sadd.s32 s1, s30  }
0xbb: {  	s0 =	sor.u32 s3, s0;
	s1 =	sshll.u32 s1, $0x11  }
0xbc: {  	s0 =	sor.u32 s1, s0  }
0xbd: {  	s0 =	sadd.s32 $0x8F2B, s0  }
0xbe: {  	[sflag:s0] =	ssyncadd.remote.s32 $0x1  }
0xbf: {  	_ =	sfence.sel $0xFFFF  }
0xc0: {  	[dreg:$0x0] =	wrdreg $0xFFFFFFFF;
	(pc) =	sbr.abs _section_cstart, $3  }
0xc1: {  	[dreg:$0x1] =	wrdreg $0xFFFFFFFF  }
0xc2: {  	_ =	task.clear_ibuf [dreg:s7], $0x2FFFF;
	_ =	strace $0x9FFFFFFF  }
0xc3: {  	(tm) =	ssettm $0x7FFFFFFF  }
tec
execute0_lowered:
.L_overlay_start_1:
0x0: {  	(tag) =	ssettag $0x1  }
0x1: {  	s4 =	rddreg [dreg:$0x0]  }
0x2: {  	s6 =	rddreg [dreg:$0x1];
	s0 =	srdreg.scid  }
0x3: {  	s2 =	rddreg [dreg:$0x2];
	s1 =	stileid.u32  }
0x4: {  	s3 =	simm.s32 $0x0;
	s14 =	simm.s32 $0x20;
	s15 =	simm.s32 $0x10  }
0x5: {  	s5 =	sand.u32 $0x1, s0;
	s0 =	rddreg [dreg:$0x3];
	s9 =	smul.u32 $0xA00, s1  }
0x6: {  	s16 =	simm.s32 $0x0;
	[smem:$0x7FF] =	sst s3;
	s12 =	smul.u32 $0xA0, s1  }
0x7: {  	s13 =	sshll.u32 s1, $0x6;
	s7 =	sshll.u32 s5, $0x4;
	s5 =	ssub.s32 $0x2, s5  }
0x8: {  	_ =	strace $0x80000047;
	s8 =	sor.u32 s1, s7;
	s10 =	sshrl.u32 s5, $0x1  }
0x9: {  	s9 =	sshrl.u32 s9, $0x2;
	s11 =	sadd.s32 s6, s7;
	s7 =	simm.s32 $0x2880  }
0xa: {  	s8 =	smul.u32 $0x500, s8;
	s10 =	ssub.s32 s5, s10;
	s11 =	sadd.s32 s12, s11  }
0xb: {  	s12 =	sor.u32 $0x1C01, s13;
	s6 =	smax.u32 s10, $0x1;
	s10 =	simm.s32 $0x2800  }
0xc: {  	s8 =	sadd.s32 s8, s4;
	s4 =	sadd.s32 s9, s2;
	s9 =	simm.s32 $0x80  }
0xd: {  	v0 =	vimm.f32 $1.000000000e+00;
	v1 =	vimm.f32 $0.0e+00;
	s5 =	sadd.s32 $0x1C00, s8;
	s8 =	simm.s32 $0x1;
	s13 =	sshrl.u32 s4, $0x3  }
.LBB2_1:
0xe: {  	[tilespmem:$0x2800] =	vst v0  }
0xf: {  	[tilespmem:$0x2810] =	vst v0  }
0x10: {  	[tilespmem:$0x2820] =	vst v0  }
0x11: {  	[tilespmem:$0x2830] =	vst v0  }
0x12: {  	[tilespmem:$0x2840] =	vst v0  }
0x13: {  	[tilespmem:$0x2850] =	vst v0  }
0x14: {  	[tilespmem:$0x2860] =	vst v0  }
0x15: {  	[tilespmem:$0x2870] =	vst v0  }
0x16: {  	[tilespmem:$0x2880] =	vst v1  }
0x17: {  	[tilespmem:$0x2890] =	vst v1  }
0x18: {  	[tilespmem:$0x28A0] =	vst v1  }
0x19: {  	[tilespmem:$0x28B0] =	vst v1  }
0x1a: {  	[tilespmem:$0x28C0] =	vst v1  }
0x1b: {  	[tilespmem:$0x28D0] =	vst v1  }
0x1c: {  	[tilespmem:$0x28E0] =	vst v1  }
0x1d: {  	[tilespmem:$0x28F0] =	vst v1  }
0x1e: {  	[tilespmem:$0x2900] =	vst v1  }
0x1f: {  	[tilespmem:$0x2910] =	vst v1  }
0x20: {  	[tilespmem:$0x2920] =	vst v1  }
0x21: {  	[tilespmem:$0x2930] =	vst v1  }
0x22: {  	[tilespmem:$0x2940] =	vst v1  }
0x23: {  	[tilespmem:$0x2950] =	vst v1  }
0x24: {  	[tilespmem:$0x2960] =	vst v1  }
0x25: {  	[tilespmem:$0x2970] =	vst v1  }
0x26: {  	[tilespmem:$0x2980] =	vst v1  }
0x27: {  	[tilespmem:$0x2990] =	vst v1  }
0x28: {  	[tilespmem:$0x29A0] =	vst v1  }
0x29: {  	[tilespmem:$0x29B0] =	vst v1  }
0x2a: {  	[tilespmem:$0x29C0] =	vst v1  }
0x2b: {  	[tilespmem:$0x29D0] =	vst v1  }
0x2c: {  	[tilespmem:$0x29E0] =	vst v1  }
0x2d: {  	[tilespmem:$0x29F0] =	vst v1  }
0x2e: {  	[tilespmem:$0x2A00] =	vst v1  }
0x2f: {  	[tilespmem:$0x2A10] =	vst v1  }
0x30: {  	[tilespmem:$0x2A20] =	vst v1  }
0x31: {  	[tilespmem:$0x2A30] =	vst v1  }
0x32: {  	[tilespmem:$0x2A40] =	vst v1  }
0x33: {  	[tilespmem:$0x2A50] =	vst v1  }
0x34: {  	[tilespmem:$0x2A60] =	vst v1  }
0x35: {  	[tilespmem:$0x2A70] =	vst v1  }
0x36: {  	[tilespmem:$0x2A80] =	vst v1  }
0x37: {  	[tilespmem:$0x2A90] =	vst v1  }
0x38: {  	[tilespmem:$0x2AA0] =	vst v1  }
0x39: {  	[tilespmem:$0x2AB0] =	vst v1  }
0x3a: {  	[tilespmem:$0x2AC0] =	vst v1  }
0x3b: {  	[tilespmem:$0x2AD0] =	vst v1  }
0x3c: {  	[tilespmem:$0x2AE0] =	vst v1  }
0x3d: {  	[tilespmem:$0x2AF0] =	vst v1  }
0x3e: {  	[spmem:s4] =	stream.linear.scatter [tilespmem:s7], [sflag:$0x1], $0x280, $0x38;
	[tilespmem:$0x2D80] =	vst v63  }
0x3f: {  	_ =	swait.ge [sflag:s8], $0x280  }
0x40: {  	[sflag:s8] =	ssyncset.done $0x0  }
0x41: {  	[sflag:s8] =	ssyncadd.s32 $0xFFFFFD80  }
0x42: {  	[tilespmem:s3], [sflag:$0x1] =	stream.linear.gather [hbm4b:s5+s3], $0x2780, $0x38;
	[tilespmem:$0x2D80] =	vst v63  }
0x43: {  	_ =	swait.ge [sflag:s8], $0x2780  }
0x44: {  	[sflag:s8] =	ssyncset.done $0x0  }
0x45: {  	[sflag:s8] =	ssyncadd.s32 $0xFFFFD880  }
0x46: {  	s17 =	simm.s32 $0x0;
	[bflag:$0x0] =	sbarrier.arrive $0xFFFF  }
0x47: {  	[spmem:s2] =	stream.indirect.scatter.add.f32 [tilespmem:s10], [sflag:$0x1], $0x1, s17, s9, $0xb8;
	[tilespmem:$0x2D80] =	vst v63  }
0x48: {  	_ =	swait.ge [sflag:s8], $0x80  }
0x49: {  	s17 =	simm.s32 $0x200;
	[sflag:s8] =	ssyncset.done $0x0  }
.LBB2_2:
0x4a: {  	s18 =	sshra.s32 s17, $0x2;
	[sflag:s8] =	ssyncadd.s32 $0xFFFFFF80;
	p0 =	sne.s32 s17, $0x9C00  }
0x4b: {  	[spmem:s2] =	stream.indirect.scatter.add.f32 [tilespmem:s10], [sflag:$0x1], $0x1, s18, s9, $0xb8;
	[tilespmem:$0x2D80] =	vst v63  }
.Ltmp0:
0x4c: {  	_ = 	snop;
	(pc) =	sbr.rel @p0 .LBB2_2-.Ltmp0, $4  }
0x4d: {  	_ = 	snop  }
0x4e: {  	s17 =	sadd.s32 $0x200, s17  }
0x4f: {  	_ =	swait.ge [sflag:s8], $0x80  }
0x50: {  	[sflag:s8] =	ssyncset.done $0x0  }
0x51: {  	s16 =	sadd.s32 $0x1, s16  }
0x52: {  	[sflag:s8] =	ssyncadd.s32 $0xFFFFFF80;
	p0 =	sne.s32 s16, s6  }
.Ltmp1:
0x53: {  	[bflag:$0x0] =	sbarrier.arrive $0xFFFF;
	(pc) =	sbr.rel @p0 .LBB2_1-.Ltmp1, $4  }
0x54: {  	[hbm:s11@s14], [sflag:s12] =	dma.strided [spmem:s13@s15], $0x50, s8, $0x10   }
0x55: {  	_ =	swait.ge [sflag:s8], $0x50  }
0x56: {  	[sflag:s8] =	ssyncset.done $0x0  }
0x57: {  	[sflag:s8] =	ssyncadd.s32 $0xFFFFFFB0  }
0x58: {  	_ =	sfence.sel $0x180000  }
0x59: {  	[bflag:$0x0] =	sbarrier.arrive $0xFFFF  }
0x5a: {  	p0 =	sne.s32 s1, $0x0;
	_ =	strace $0x90000047  }
0x5b: {  	s0 =	sadd.s32 @!p0 $0x100000, s0;
	[bflag:$0x2] =	sbarrier.arrive $0xFFFF  }
0x5c: {  	[sflag:s0] =	ssyncadd.tile.s32 @!p0 $0x1;
	_ =	shalt  }
.Lfunc_end2:
_tile_overlayer_lowered:
.L_overlay_start_2:
0x5d: {  	(tag) =	ssettag $0x2  }
0x5e: {  	s0 =	rddreg [dreg:$0x0];
	s2 =	stileid.u32  }
0x5f: {  	s1 =	rddreg [dreg:$0x1];
	p0 =	sne.s32 s2, $0x0  }
0x60: {  	s3 =	rddreg [dreg:$0x2];
	[bflag:$0x3] =	sbarrier.arrive $0xFFFF;
	s2 =	simm.s32 @!p0 $0x1C01  }
0x61: {  	[timem:s3], [sflag:s2] =	dma.local @!p0 [hbm:s0], s1  }
0x62: {  	s0 =	simm.s32 @!p0 $0x1  }
0x63: {  	_ =	swait.ge @!p0 [sflag:s0], s1  }
0x64: {  	s1 =	ssub.s32 @!p0 $0x0, s1;
	[sflag:s0] =	ssyncset.done @!p0 $0x0  }
0x65: {  	[sflag:s0] =	ssyncadd.s32 @!p0 s1  }
0x66: {  	[bflag:$0x3] =	sbarrier.arrive $0xFFFF  }
0x67: {  	_ =	shalt  }

</sc_bundles>
